<compile_context>
chip_gen: v7x
topology: tpu7x:2x2x1
jax: 0.10.2.dev20260603
libtpu: 0.0.44.dev20260713+nightly
codegen_flags: <defaults>
</compile_context>

<pallas_src>
import functools

import jax
import jax.numpy as jnp
from jax import lax
from jax.experimental import pallas as pl
from jax.experimental.pallas import tpu as pltpu
from jax.experimental.pallas import tpu_sc as plsc

_NUM_CODES = 8192
_D = 64
_NTOK = 16 * 576
_BR = 512
_NCH = 8
_CH = _NUM_CODES // _NCH
_KC = 4
_NW = 32
_CHUNK = 96
_CPW = _NTOK // (_NW * _CHUNK)


def _main_body(ze_ref, cb_ref, zn2_ref, cn2_ref, q_ref):
    ze = ze_ref[...]
    dot = lax.dot_general(
        ze, cb_ref[...], (((1,), (1,)), ((), ())),
        preferred_element_type=jnp.float32)
    d2 = (zn2_ref[...] - 2.0 * dot) + cn2_ref[...]
    m = jnp.min(d2, axis=1, keepdims=True)
    e = (lax.bitcast_convert_type(m, jnp.int32) >> 23) & 0xFF
    ulp = lax.bitcast_convert_type((e - 7) << 23, jnp.float32)
    thr = m + 4.0 * ulp
    acc_v = jnp.full((_BR, 1), jnp.inf, jnp.float32)
    acc_i = jnp.zeros((_BR, 1), jnp.int32)
    iota = lax.broadcasted_iota(jnp.int32, (_BR, _CH), 1)
    for c in range(_NCH):
        seg = lax.slice(d2, (0, c * _CH), (_BR, (c + 1) * _CH))
        prev = jnp.full((_BR, 1), -1, jnp.int32)
        for _ in range(_KC):
            sel = (seg <= thr) & (iota > prev)
            idx = jnp.min(jnp.where(sel, iota, _CH), axis=1, keepdims=True)
            val = jnp.min(jnp.where(iota == idx, seg, jnp.inf),
                          axis=1, keepdims=True)
            accq = acc_v.astype(jnp.bfloat16).astype(jnp.float32)
            take = val < accq
            acc_v = jnp.where(take, val, acc_v)
            acc_i = jnp.where(take, idx + c * _CH, acc_i)
            prev = idx
    q_ref[...] = acc_i


def _tc_stage(ze, cb, zn2, cn2):
    return pl.pallas_call(
        _main_body,
        grid=(_NTOK // _BR,),
        in_specs=[pl.BlockSpec((_BR, _D), lambda i: (i, 0)),
                  pl.BlockSpec((_NUM_CODES, _D), lambda i: (0, 0)),
                  pl.BlockSpec((_BR, 1), lambda i: (i, 0)),
                  pl.BlockSpec((1, _NUM_CODES), lambda i: (0, 0))],
        out_specs=pl.BlockSpec((_BR, 1), lambda i: (i, 0)),
        out_shape=jax.ShapeDtypeStruct((_NTOK, 1), jnp.int32),
    )(ze, cb, zn2, cn2)


def _sc_gather(cbp, idx1d):
    mesh = plsc.VectorSubcoreMesh(core_axis_name="c", subcore_axis_name="s")
    per_w = _CPW * _CHUNK

    @functools.partial(
        pl.kernel, mesh=mesh,
        out_type=jax.ShapeDtypeStruct((_NTOK, 2 * _D), jnp.float32),
        scratch_types=[pltpu.VMEM((_CPW * _CHUNK,), jnp.int32),
                       pltpu.VMEM((_CPW * _CHUNK, 2 * _D), jnp.float32),
                       pltpu.SemaphoreType.DMA],
    )
    def g(cb_hbm, idx_hbm, out_hbm, idx_v, rows_v, sem):
        wid = lax.axis_index("s") * 2 + lax.axis_index("c")
        pltpu.sync_copy(idx_hbm.at[pl.ds(wid * per_w, per_w)], idx_v)
        copies = [
            pltpu.async_copy(cb_hbm.at[idx_v.at[pl.ds(j * _CHUNK, _CHUNK)]],
                             rows_v.at[pl.ds(j * _CHUNK, _CHUNK)], sem)
            for j in range(_CPW)
        ]
        for c in copies:
            c.wait()
        pltpu.sync_copy(rows_v, out_hbm.at[pl.ds(wid * per_w, per_w)])

    return g(cbp, idx1d)


def kernel(z, codebook_weight, bn_gamma, bn_beta):
    z = z.astype(jnp.float32)
    z_e = z * lax.rsqrt(jnp.mean(z * z, axis=-1, keepdims=True) + 1e-6)
    w = codebook_weight
    mean = jnp.mean(w, axis=0)
    var = jnp.var(w, axis=0)
    wn = (w - mean) * lax.rsqrt(var + 1e-5) * bn_gamma + bn_beta
    cb = wn * lax.rsqrt(jnp.mean(wn * wn, axis=-1, keepdims=True) + 1e-6)

    ze = z_e.reshape(-1, _D)
    zn2 = jnp.sum(ze * ze, axis=1, keepdims=True)
    cn2 = jnp.sum(cb * cb, axis=1)[None, :]

    q2 = _tc_stage(ze, cb, zn2, cn2)

    cbp = jnp.concatenate(
        [cb, jnp.zeros((_NUM_CODES, _D), jnp.float32)], axis=1)
    zq_flat = _sc_gather(cbp, q2.reshape(_NTOK))[:, :_D]

    z_q = zq_flat.reshape(z.shape)
    q = q2.reshape(z.shape[:-1])
    z_q_st = z_e + lax.stop_gradient(z_q - z_e)
    return (z_q_st, z_e, q, z_q)

# --- scband reference (transcript-rebuilt; emitter-appended) ---
"""Pipeline reference for scband-spherical-vector-quantizer-29008209117616 (READ-ONLY COPY).

The authoritative reference and input builder live on the scoring server;
editing this copy changes nothing except your own understanding.
"""

import jax, jax.numpy as jnp
import numpy as np

NUM_CODES = 8192
EMBED_DIM = 64

def setup_inputs(seed: int = 0) -> dict:
    key = jax.random.key(seed)
    k1, k2 = jax.random.split(key)
    z = jax.random.normal(k1, (16, 576, EMBED_DIM), dtype=jnp.float32)
    codebook_weight = jax.random.uniform(k2, (NUM_CODES, EMBED_DIM), minval=-1.0 / NUM_CODES, maxval=1.0 / NUM_CODES, dtype=jnp.float32)
    bn_gamma = jnp.ones((EMBED_DIM,), dtype=jnp.float32)
    bn_beta = jnp.zeros((EMBED_DIM,), dtype=jnp.float32)
    return {"z": z, "codebook_weight": codebook_weight, "bn_gamma": bn_gamma, "bn_beta": bn_beta}

def _rms_norm(x, eps=1e-6):
    return x * jax.lax.rsqrt(jnp.mean(x * x, axis=-1, keepdims=True) + eps)

def _get_codebook(w, gamma, beta):
    # BatchNorm1d with track_running_stats=False: always uses batch stats (biased var)
    mean = jnp.mean(w, axis=0)
    var = jnp.var(w, axis=0)
    wn = (w - mean) * jax.lax.rsqrt(var + 1e-5) * gamma + beta
    return _rms_norm(wn)

def reference(z, codebook_weight, bn_gamma, bn_beta):
    z = z.astype(jnp.float32)
    # c_in is Identity (width == embed_dim)
    z_e = _rms_norm(z)
    codebook = _get_codebook(codebook_weight, bn_gamma, bn_beta)
    z_flat = z_e.reshape(-1, z_e.shape[-1])
    # squared euclidean distance (argmin-equivalent to torch.cdist)
    d2 = (jnp.sum(z_flat * z_flat, axis=1, keepdims=True)
          - 2.0 * (z_flat @ codebook.T)
          + jnp.sum(codebook * codebook, axis=1)[None, :])
    q = jnp.argmin(d2, axis=1)
    z_q = jnp.take(codebook, q, axis=0).reshape(z_e.shape)
    q = q.reshape(z_e.shape[:-1])
    # straight-through approximation; c_out is Identity
    z_q_st = z_e + jax.lax.stop_gradient(z_q - z_e)
    return (z_q_st, z_e, q, z_q)

if __name__ == "__main__":
    import jax
    _d = setup_inputs()
    print(jax.jit(kernel)(*tuple(_d.values())))

</pallas_src>

<mosaic_0001>
#map = affine_map<(d0, d1) -> (0, 0)>
#map1 = affine_map<(d0, d1) -> (0)>
module attributes {stable_mosaic.version = 14 : i64} {
  func.func @g(%arg0: i32, %arg1: i32, %arg2: memref<8192x128xf32, #tpu.memory_space<hbm>>, %arg3: memref<9216xi32, #tpu.memory_space<hbm>>, %arg4: memref<9216x128xf32, #tpu.memory_space<hbm>>, %arg5: memref<288xi32, #tpu.memory_space<vmem>>, %arg6: memref<288x128xf32, #tpu.memory_space<vmem>>, %arg7: memref<!tpu.dma_semaphore, #tpu.memory_space<semaphore_mem>>) attributes {dimension_semantics = [#tpu.dimension_semantics<core_parallel>, #tpu.dimension_semantics<subcore_parallel>], iteration_bounds = array<i64: 2, 16>, scalar_prefetch = 0 : i64, scratch_operands = 3 : i64, tpu.core_type = #tpu.core_type<sc_vector_subcore>, window_params = [{transform_indices = #map}, {transform_indices = #map1}, {transform_indices = #map}]} {
    %mul3A = arith.constant 2 : i32
    %mul3A_0 = arith.muli %arg1, %mul3A : i32
    %add3A = arith.addi %mul3A_0, %arg0 : i32
    %mul3A_1 = arith.constant 288 : i32
    %mul3A_2 = arith.muli %add3A, %mul3A_1 : i32
    "tpu.region"() ({
      %run_scoped3A = tpu.sem_alloc : memref<!tpu.dma_semaphore, #tpu.memory_space<semaphore_mem>>
      %dma_start3A_51 = tpu.memref_slice %arg3[%mul3A_2] : memref<9216xi32, #tpu.memory_space<hbm>> -> memref<288xi32, #tpu.memory_space<hbm>>
      %dma_start3A_52 = tpu.memref_slice %arg3[%mul3A_2] : memref<9216xi32, #tpu.memory_space<hbm>> -> memref<288xi32, #tpu.memory_space<hbm>>
      tpu.enqueue_dma source(%dma_start3A_52 : memref<288xi32, #tpu.memory_space<hbm>>) target(%arg5 : memref<288xi32, #tpu.memory_space<vmem>>) target_semaphore(%run_scoped3A : memref<!tpu.dma_semaphore, #tpu.memory_space<semaphore_mem>>)
      %dma_wait3A_53 = tpu.memref_slice %arg3[%mul3A_2] : memref<9216xi32, #tpu.memory_space<hbm>> -> memref<288xi32, #tpu.memory_space<hbm>>
      %dma_wait3A_54 = tpu.memref_slice %arg3[%mul3A_2] : memref<9216xi32, #tpu.memory_space<hbm>> -> memref<288xi32, #tpu.memory_space<hbm>>
      tpu.wait_dma2 semaphore(%run_scoped3A : memref<!tpu.dma_semaphore, #tpu.memory_space<semaphore_mem>>) src(%dma_wait3A_54 : memref<288xi32, #tpu.memory_space<hbm>>) dst(%arg5 : memref<288xi32, #tpu.memory_space<vmem>>)
      tpu.yield
    }) : () -> ()
    %dma_start3A = arith.constant 0 : i32
    %dma_start3A_3 = arith.constant 0 : i32
    %dma_start3A_4 = tpu.memref_slice %arg6[%dma_start3A, %dma_start3A_3] : memref<288x128xf32, #tpu.memory_space<vmem>> -> memref<96x128xf32, #tpu.memory_space<vmem>>
    %dma_start3A_5 = arith.constant 0 : i32
    %dma_start3A_6 = tpu.memref_slice %arg5[%dma_start3A_5] : memref<288xi32, #tpu.memory_space<vmem>> -> memref<96xi32, #tpu.memory_space<vmem>>
    %dma_start3A_7 = arith.constant 0 : i32
    %dma_start3A_8 = arith.constant 0 : i32
    %dma_start3A_9 = tpu.memref_slice %arg2[%dma_start3A_7, %dma_start3A_8] : memref<8192x128xf32, #tpu.memory_space<hbm>> -> memref<8192x128xf32, #tpu.memory_space<hbm>>
    tpu.enqueue_indirect_dma source(%dma_start3A_9 : memref<8192x128xf32, #tpu.memory_space<hbm>>) target(%dma_start3A_4 : memref<96x128xf32, #tpu.memory_space<vmem>>) offsets(%dma_start3A_6 : memref<96xi32, #tpu.memory_space<vmem>>) semaphore(%arg7 : memref<!tpu.dma_semaphore, #tpu.memory_space<semaphore_mem>>)
    %dma_start3A_10 = arith.constant 96 : i32
    %dma_start3A_11 = arith.constant 0 : i32
    %dma_start3A_12 = tpu.memref_slice %arg6[%dma_start3A_10, %dma_start3A_11] : memref<288x128xf32, #tpu.memory_space<vmem>> -> memref<96x128xf32, #tpu.memory_space<vmem>>
    %dma_start3A_13 = arith.constant 96 : i32
    %dma_start3A_14 = tpu.memref_slice %arg5[%dma_start3A_13] : memref<288xi32, #tpu.memory_space<vmem>> -> memref<96xi32, #tpu.memory_space<vmem>>
    %dma_start3A_15 = arith.constant 0 : i32
    %dma_start3A_16 = arith.constant 0 : i32
    %dma_start3A_17 = tpu.memref_slice %arg2[%dma_start3A_15, %dma_start3A_16] : memref<8192x128xf32, #tpu.memory_space<hbm>> -> memref<8192x128xf32, #tpu.memory_space<hbm>>
    tpu.enqueue_indirect_dma source(%dma_start3A_17 : memref<8192x128xf32, #tpu.memory_space<hbm>>) target(%dma_start3A_12 : memref<96x128xf32, #tpu.memory_space<vmem>>) offsets(%dma_start3A_14 : memref<96xi32, #tpu.memory_space<vmem>>) semaphore(%arg7 : memref<!tpu.dma_semaphore, #tpu.memory_space<semaphore_mem>>)
    %dma_start3A_18 = arith.constant 192 : i32
    %dma_start3A_19 = arith.constant 0 : i32
    %dma_start3A_20 = tpu.memref_slice %arg6[%dma_start3A_18, %dma_start3A_19] : memref<288x128xf32, #tpu.memory_space<vmem>> -> memref<96x128xf32, #tpu.memory_space<vmem>>
    %dma_start3A_21 = arith.constant 192 : i32
    %dma_start3A_22 = tpu.memref_slice %arg5[%dma_start3A_21] : memref<288xi32, #tpu.memory_space<vmem>> -> memref<96xi32, #tpu.memory_space<vmem>>
    %dma_start3A_23 = arith.constant 0 : i32
    %dma_start3A_24 = arith.constant 0 : i32
    %dma_start3A_25 = tpu.memref_slice %arg2[%dma_start3A_23, %dma_start3A_24] : memref<8192x128xf32, #tpu.memory_space<hbm>> -> memref<8192x128xf32, #tpu.memory_space<hbm>>
    tpu.enqueue_indirect_dma source(%dma_start3A_25 : memref<8192x128xf32, #tpu.memory_space<hbm>>) target(%dma_start3A_20 : memref<96x128xf32, #tpu.memory_space<vmem>>) offsets(%dma_start3A_22 : memref<96xi32, #tpu.memory_space<vmem>>) semaphore(%arg7 : memref<!tpu.dma_semaphore, #tpu.memory_space<semaphore_mem>>)
    %dma_wait3A = arith.constant 0 : i32
    %dma_wait3A_26 = arith.constant 0 : i32
    %dma_wait3A_27 = tpu.memref_slice %arg6[%dma_wait3A, %dma_wait3A_26] : memref<288x128xf32, #tpu.memory_space<vmem>> -> memref<96x128xf32, #tpu.memory_space<vmem>>
    %dma_wait3A_28 = arith.constant 0 : i32
    %dma_wait3A_29 = tpu.memref_slice %arg5[%dma_wait3A_28] : memref<288xi32, #tpu.memory_space<vmem>> -> memref<96xi32, #tpu.memory_space<vmem>>
    %dma_wait3A_30 = arith.constant 0 : i32
    %dma_wait3A_31 = arith.constant 0 : i32
    %dma_wait3A_32 = tpu.memref_slice %arg2[%dma_wait3A_30, %dma_wait3A_31] : memref<8192x128xf32, #tpu.memory_space<hbm>> -> memref<8192x128xf32, #tpu.memory_space<hbm>>
    tpu.wait_indirect_dma semaphore(%arg7 : memref<!tpu.dma_semaphore, #tpu.memory_space<semaphore_mem>>) src(%dma_wait3A_32 : memref<8192x128xf32, #tpu.memory_space<hbm>>) dst(%dma_wait3A_27 : memref<96x128xf32, #tpu.memory_space<vmem>>)
    %dma_wait3A_33 = arith.constant 96 : i32
    %dma_wait3A_34 = arith.constant 0 : i32
    %dma_wait3A_35 = tpu.memref_slice %arg6[%dma_wait3A_33, %dma_wait3A_34] : memref<288x128xf32, #tpu.memory_space<vmem>> -> memref<96x128xf32, #tpu.memory_space<vmem>>
    %dma_wait3A_36 = arith.constant 96 : i32
    %dma_wait3A_37 = tpu.memref_slice %arg5[%dma_wait3A_36] : memref<288xi32, #tpu.memory_space<vmem>> -> memref<96xi32, #tpu.memory_space<vmem>>
    %dma_wait3A_38 = arith.constant 0 : i32
    %dma_wait3A_39 = arith.constant 0 : i32
    %dma_wait3A_40 = tpu.memref_slice %arg2[%dma_wait3A_38, %dma_wait3A_39] : memref<8192x128xf32, #tpu.memory_space<hbm>> -> memref<8192x128xf32, #tpu.memory_space<hbm>>
    tpu.wait_indirect_dma semaphore(%arg7 : memref<!tpu.dma_semaphore, #tpu.memory_space<semaphore_mem>>) src(%dma_wait3A_40 : memref<8192x128xf32, #tpu.memory_space<hbm>>) dst(%dma_wait3A_35 : memref<96x128xf32, #tpu.memory_space<vmem>>)
    %dma_wait3A_41 = arith.constant 192 : i32
    %dma_wait3A_42 = arith.constant 0 : i32
    %dma_wait3A_43 = tpu.memref_slice %arg6[%dma_wait3A_41, %dma_wait3A_42] : memref<288x128xf32, #tpu.memory_space<vmem>> -> memref<96x128xf32, #tpu.memory_space<vmem>>
    %dma_wait3A_44 = arith.constant 192 : i32
    %dma_wait3A_45 = tpu.memref_slice %arg5[%dma_wait3A_44] : memref<288xi32, #tpu.memory_space<vmem>> -> memref<96xi32, #tpu.memory_space<vmem>>
    %dma_wait3A_46 = arith.constant 0 : i32
    %dma_wait3A_47 = arith.constant 0 : i32
    %dma_wait3A_48 = tpu.memref_slice %arg2[%dma_wait3A_46, %dma_wait3A_47] : memref<8192x128xf32, #tpu.memory_space<hbm>> -> memref<8192x128xf32, #tpu.memory_space<hbm>>
    tpu.wait_indirect_dma semaphore(%arg7 : memref<!tpu.dma_semaphore, #tpu.memory_space<semaphore_mem>>) src(%dma_wait3A_48 : memref<8192x128xf32, #tpu.memory_space<hbm>>) dst(%dma_wait3A_43 : memref<96x128xf32, #tpu.memory_space<vmem>>)
    %mul3A_49 = arith.constant 288 : i32
    %mul3A_50 = arith.muli %add3A, %mul3A_49 : i32
    "tpu.region"() ({
      %run_scoped3A = tpu.sem_alloc : memref<!tpu.dma_semaphore, #tpu.memory_space<semaphore_mem>>
      %dma_start3A_51 = arith.constant 0 : i32
      %dma_start3A_52 = tpu.memref_slice %arg4[%mul3A_50, %dma_start3A_51] : memref<9216x128xf32, #tpu.memory_space<hbm>> -> memref<288x128xf32, #tpu.memory_space<hbm>>
      %dma_start3A_53 = arith.constant 0 : i32
      %dma_start3A_54 = tpu.memref_slice %arg4[%mul3A_50, %dma_start3A_53] : memref<9216x128xf32, #tpu.memory_space<hbm>> -> memref<288x128xf32, #tpu.memory_space<hbm>>
      tpu.enqueue_dma source(%arg6 : memref<288x128xf32, #tpu.memory_space<vmem>>) target(%dma_start3A_54 : memref<288x128xf32, #tpu.memory_space<hbm>>) target_semaphore(%run_scoped3A : memref<!tpu.dma_semaphore, #tpu.memory_space<semaphore_mem>>)
      %dma_wait3A_55 = arith.constant 0 : i32
      %dma_wait3A_56 = tpu.memref_slice %arg4[%mul3A_50, %dma_wait3A_55] : memref<9216x128xf32, #tpu.memory_space<hbm>> -> memref<288x128xf32, #tpu.memory_space<hbm>>
      %dma_wait3A_57 = arith.constant 0 : i32
      %dma_wait3A_58 = tpu.memref_slice %arg4[%mul3A_50, %dma_wait3A_57] : memref<9216x128xf32, #tpu.memory_space<hbm>> -> memref<288x128xf32, #tpu.memory_space<hbm>>
      tpu.wait_dma2 semaphore(%run_scoped3A : memref<!tpu.dma_semaphore, #tpu.memory_space<semaphore_mem>>) src(%arg6 : memref<288x128xf32, #tpu.memory_space<vmem>>) dst(%dma_wait3A_58 : memref<288x128xf32, #tpu.memory_space<hbm>>)
      tpu.yield
    }) : () -> ()
    return
  }
}

module attributes {stable_mosaic.version = 14 : i64} {
  func.func @_main_body(%arg0: i32, %arg1: memref<512x64xf32, #tpu.memory_space<vmem>>, %arg2: memref<8192x64xf32, #tpu.memory_space<vmem>>, %arg3: memref<512x1xf32, #tpu.memory_space<vmem>>, %arg4: memref<1x8192xf32, #tpu.memory_space<vmem>>, %arg5: memref<512x1xi32, #tpu.memory_space<vmem>>) attributes {dimension_semantics = [#tpu.dimension_semantics<arbitrary>], iteration_bounds = array<i64: 18>, scalar_prefetch = 0 : i64, scratch_operands = 0 : i64, tpu.core_type = #tpu.core_type<tc>, window_params = [{transform_indices = @transform_0, window_bounds = array<i64: 512, 64>}, {pipeline_mode = #tpu.pipeline_mode<synchronous>, transform_indices = @transform_1, window_bounds = array<i64: 8192, 64>}, {transform_indices = @transform_2, window_bounds = array<i64: 512, 1>}, {pipeline_mode = #tpu.pipeline_mode<synchronous>, transform_indices = @transform_3, window_bounds = array<i64: 1, 8192>}, {transform_indices = @transform_4, window_bounds = array<i64: 512, 1>}]} {
    %get3A = arith.constant 0 : index
    %get3A_0 = arith.constant 0 : index
    %get3A_1 = vector.load %arg1[%get3A, %get3A_0] : memref<512x64xf32, #tpu.memory_space<vmem>>, vector<512x64xf32>
    %get3A_2 = arith.constant 0 : index
    %get3A_3 = arith.constant 0 : index
    %get3A_4 = vector.load %arg2[%get3A_2, %get3A_3] : memref<8192x64xf32, #tpu.memory_space<vmem>>, vector<8192x64xf32>
    %dot_general3A = arith.constant dense<0.000000e+00> : vector<512x8192xf32>
    %dot_general3A_5 = tpu.matmul %get3A_1, %get3A_4, %dot_general3A {dimension_numbers = #tpu.dot_dimension_numbers<[1], [1], [0], [0], [0, 0, 1, 0], [], []>, transpose_lhs_hint = false} : vector<512x64xf32>, vector<8192x64xf32>, vector<512x8192xf32> -> vector<512x8192xf32>
    %get3A_6 = arith.constant 0 : index
    %get3A_7 = arith.constant 0 : index
    %get3A_8 = vector.load %arg3[%get3A_6, %get3A_7] : memref<512x1xf32, #tpu.memory_space<vmem>>, vector<512x1xf32>
    %mul3A = arith.constant 2.000000e+00 : f32
    %mul3A_9 = vector.broadcast %mul3A : f32 to vector<512x8192xf32>
    %mul3A_10 = arith.mulf %mul3A_9, %dot_general3A_5 : vector<512x8192xf32>
    %sub3A = vector.broadcast %get3A_8 : vector<512x1xf32> to vector<512x8192xf32>
    %sub3A_11 = arith.subf %sub3A, %mul3A_10 : vector<512x8192xf32>
    %get3A_12 = arith.constant 0 : index
    %get3A_13 = arith.constant 0 : index
    %get3A_14 = vector.load %arg4[%get3A_12, %get3A_13] : memref<1x8192xf32, #tpu.memory_space<vmem>>, vector<1x8192xf32>
    %add3A = vector.broadcast %get3A_14 : vector<1x8192xf32> to vector<512x8192xf32>
    %add3A_15 = arith.addf %sub3A_11, %add3A : vector<512x8192xf32>
    %reduce_min3A = arith.constant dense<0x7F800000> : vector<512xf32>
    %reduce_min3A_16 = vector.multi_reduction <minimumf>, %add3A_15, %reduce_min3A [1] : vector<512x8192xf32> to vector<512xf32>
    %broadcast_in_dim3A = vector.shape_cast %reduce_min3A_16 : vector<512xf32> to vector<512x1xf32>
    %bitcast_convert_type3A = tpu.bitcast %broadcast_in_dim3A : vector<512x1xf32> -> vector<512x1xi32>
    %shift_right_arithmetic3A = arith.constant 23 : i32
    %shift_right_arithmetic3A_17 = vector.broadcast %shift_right_arithmetic3A : i32 to vector<512x1xi32>
    %shift_right_arithmetic3A_18 = arith.shrsi %bitcast_convert_type3A, %shift_right_arithmetic3A_17 : vector<512x1xi32>
    %and3A = arith.constant 255 : i32
    %and3A_19 = vector.broadcast %and3A : i32 to vector<512x1xi32>
    %and3A_20 = arith.andi %shift_right_arithmetic3A_18, %and3A_19 : vector<512x1xi32>
    %sub3A_21 = arith.constant 7 : i32
    %sub3A_22 = vector.broadcast %sub3A_21 : i32 to vector<512x1xi32>
    %sub3A_23 = arith.subi %and3A_20, %sub3A_22 : vector<512x1xi32>
    %shift_left3A = arith.constant 23 : i32
    %shift_left3A_24 = vector.broadcast %shift_left3A : i32 to vector<512x1xi32>
    %shift_left3A_25 = arith.shli %sub3A_23, %shift_left3A_24 : vector<512x1xi32>
    %bitcast_convert_type3A_26 = tpu.bitcast %shift_left3A_25 : vector<512x1xi32> -> vector<512x1xf32>
    %mul3A_27 = arith.constant 4.000000e+00 : f32
    %mul3A_28 = vector.broadcast %mul3A_27 : f32 to vector<512x1xf32>
    %mul3A_29 = arith.mulf %mul3A_28, %bitcast_convert_type3A_26 : vector<512x1xf32>
    %add3A_30 = arith.addf %broadcast_in_dim3A, %mul3A_29 : vector<512x1xf32>
    %broadcast_in_dim3A_31 = arith.constant 0x7F800000 : f32
    %broadcast_in_dim3A_32 = vector.broadcast %broadcast_in_dim3A_31 : f32 to vector<512x1xf32>
    %broadcast_in_dim3A_33 = arith.constant 0 : i32
    %broadcast_in_dim3A_34 = vector.broadcast %broadcast_in_dim3A_33 : i32 to vector<512x1xi32>
    %iota3A = tpu.iota {dimensions = array<i32: 1>} : vector<512x1024xi32>
    %slice3A = vector.extract_strided_slice %add3A_15 {offsets = [0, 0], sizes = [512, 1024], strides = [1, 1]} : vector<512x8192xf32> to vector<512x1024xf32>
    %broadcast_in_dim3A_35 = arith.constant -1 : i32
    %broadcast_in_dim3A_36 = vector.broadcast %broadcast_in_dim3A_35 : i32 to vector<512x1xi32>
    %le3A = vector.broadcast %add3A_30 : vector<512x1xf32> to vector<512x1024xf32>
    %le3A_37 = arith.cmpf ole, %slice3A, %le3A : vector<512x1024xf32>
    %gt3A = vector.broadcast %broadcast_in_dim3A_36 : vector<512x1xi32> to vector<512x1024xi32>
    %gt3A_38 = arith.cmpi sgt, %iota3A, %gt3A : vector<512x1024xi32>
    %and3A_39 = arith.andi %le3A_37, %gt3A_38 : vector<512x1024xi1>
    %jit3A = arith.constant 1024 : i32
    %broadcast_in_dim3A_40 = vector.broadcast %jit3A : i32 to vector<512x1024xi32>
    %select_n3A = arith.select %and3A_39, %iota3A, %broadcast_in_dim3A_40 : vector<512x1024xi1>, vector<512x1024xi32>
    %reduce_min3A_41 = arith.constant dense<2147483647> : vector<512xi32>
    %reduce_min3A_42 = vector.multi_reduction <minsi>, %select_n3A, %reduce_min3A_41 [1] : vector<512x1024xi32> to vector<512xi32>
    %broadcast_in_dim3A_43 = vector.shape_cast %reduce_min3A_42 : vector<512xi32> to vector<512x1xi32>
    %eq3A = vector.broadcast %broadcast_in_dim3A_43 : vector<512x1xi32> to vector<512x1024xi32>
    %eq3A_44 = arith.cmpi eq, %iota3A, %eq3A : vector<512x1024xi32>
    %jit3A_45 = arith.constant 0x7F800000 : f32
    %broadcast_in_dim3A_46 = vector.broadcast %jit3A_45 : f32 to vector<512x1024xf32>
    %select_n3A_47 = arith.select %eq3A_44, %slice3A, %broadcast_in_dim3A_46 : vector<512x1024xi1>, vector<512x1024xf32>
    %reduce_min3A_48 = arith.constant dense<0x7F800000> : vector<512xf32>
    %reduce_min3A_49 = vector.multi_reduction <minimumf>, %select_n3A_47, %reduce_min3A_48 [1] : vector<512x1024xf32> to vector<512xf32>
    %broadcast_in_dim3A_50 = vector.shape_cast %reduce_min3A_49 : vector<512xf32> to vector<512x1xf32>
    %convert_element_type3A = arith.truncf %broadcast_in_dim3A_32 : vector<512x1xf32> to vector<512x1xbf16>
    %convert_element_type3A_51 = arith.extf %convert_element_type3A : vector<512x1xbf16> to vector<512x1xf32>
    %lt3A = arith.cmpf olt, %broadcast_in_dim3A_50, %convert_element_type3A_51 : vector<512x1xf32>
    %select_n3A_52 = arith.select %lt3A, %broadcast_in_dim3A_50, %broadcast_in_dim3A_32 : vector<512x1xi1>, vector<512x1xf32>
    %add3A_53 = arith.constant 0 : i32
    %add3A_54 = vector.broadcast %add3A_53 : i32 to vector<512x1xi32>
    %add3A_55 = arith.addi %broadcast_in_dim3A_43, %add3A_54 : vector<512x1xi32>
    %select_n3A_56 = arith.select %lt3A, %add3A_55, %broadcast_in_dim3A_34 : vector<512x1xi1>, vector<512x1xi32>
    %le3A_57 = vector.broadcast %add3A_30 : vector<512x1xf32> to vector<512x1024xf32>
    %le3A_58 = arith.cmpf ole, %slice3A, %le3A_57 : vector<512x1024xf32>
    %gt3A_59 = vector.broadcast %broadcast_in_dim3A_43 : vector<512x1xi32> to vector<512x1024xi32>
    %gt3A_60 = arith.cmpi sgt, %iota3A, %gt3A_59 : vector<512x1024xi32>
    %and3A_61 = arith.andi %le3A_58, %gt3A_60 : vector<512x1024xi1>
    %jit3A_62 = arith.constant 1024 : i32
    %broadcast_in_dim3A_63 = vector.broadcast %jit3A_62 : i32 to vector<512x1024xi32>
    %select_n3A_64 = arith.select %and3A_61, %iota3A, %broadcast_in_dim3A_63 : vector<512x1024xi1>, vector<512x1024xi32>
    %reduce_min3A_65 = arith.constant dense<2147483647> : vector<512xi32>
    %reduce_min3A_66 = vector.multi_reduction <minsi>, %select_n3A_64, %reduce_min3A_65 [1] : vector<512x1024xi32> to vector<512xi32>
    %broadcast_in_dim3A_67 = vector.shape_cast %reduce_min3A_66 : vector<512xi32> to vector<512x1xi32>
    %eq3A_68 = vector.broadcast %broadcast_in_dim3A_67 : vector<512x1xi32> to vector<512x1024xi32>
    %eq3A_69 = arith.cmpi eq, %iota3A, %eq3A_68 : vector<512x1024xi32>
    %jit3A_70 = arith.constant 0x7F800000 : f32
    %broadcast_in_dim3A_71 = vector.broadcast %jit3A_70 : f32 to vector<512x1024xf32>
    %select_n3A_72 = arith.select %eq3A_69, %slice3A, %broadcast_in_dim3A_71 : vector<512x1024xi1>, vector<512x1024xf32>
    %reduce_min3A_73 = arith.constant dense<0x7F800000> : vector<512xf32>
    %reduce_min3A_74 = vector.multi_reduction <minimumf>, %select_n3A_72, %reduce_min3A_73 [1] : vector<512x1024xf32> to vector<512xf32>
    %broadcast_in_dim3A_75 = vector.shape_cast %reduce_min3A_74 : vector<512xf32> to vector<512x1xf32>
    %convert_element_type3A_76 = arith.truncf %select_n3A_52 : vector<512x1xf32> to vector<512x1xbf16>
    %convert_element_type3A_77 = arith.extf %convert_element_type3A_76 : vector<512x1xbf16> to vector<512x1xf32>
    %lt3A_78 = arith.cmpf olt, %broadcast_in_dim3A_75, %convert_element_type3A_77 : vector<512x1xf32>
    %select_n3A_79 = arith.select %lt3A_78, %broadcast_in_dim3A_75, %select_n3A_52 : vector<512x1xi1>, vector<512x1xf32>
    %add3A_80 = arith.constant 0 : i32
    %add3A_81 = vector.broadcast %add3A_80 : i32 to vector<512x1xi32>
    %add3A_82 = arith.addi %broadcast_in_dim3A_67, %add3A_81 : vector<512x1xi32>
    %select_n3A_83 = arith.select %lt3A_78, %add3A_82, %select_n3A_56 : vector<512x1xi1>, vector<512x1xi32>
    %le3A_84 = vector.broadcast %add3A_30 : vector<512x1xf32> to vector<512x1024xf32>
    %le3A_85 = arith.cmpf ole, %slice3A, %le3A_84 : vector<512x1024xf32>
    %gt3A_86 = vector.broadcast %broadcast_in_dim3A_67 : vector<512x1xi32> to vector<512x1024xi32>
    %gt3A_87 = arith.cmpi sgt, %iota3A, %gt3A_86 : vector<512x1024xi32>
    %and3A_88 = arith.andi %le3A_85, %gt3A_87 : vector<512x1024xi1>
    %jit3A_89 = arith.constant 1024 : i32
    %broadcast_in_dim3A_90 = vector.broadcast %jit3A_89 : i32 to vector<512x1024xi32>
    %select_n3A_91 = arith.select %and3A_88, %iota3A, %broadcast_in_dim3A_90 : vector<512x1024xi1>, vector<512x1024xi32>
    %reduce_min3A_92 = arith.constant dense<2147483647> : vector<512xi32>
    %reduce_min3A_93 = vector.multi_reduction <minsi>, %select_n3A_91, %reduce_min3A_92 [1] : vector<512x1024xi32> to vector<512xi32>
    %broadcast_in_dim3A_94 = vector.shape_cast %reduce_min3A_93 : vector<512xi32> to vector<512x1xi32>
    %eq3A_95 = vector.broadcast %broadcast_in_dim3A_94 : vector<512x1xi32> to vector<512x1024xi32>
    %eq3A_96 = arith.cmpi eq, %iota3A, %eq3A_95 : vector<512x1024xi32>
    %jit3A_97 = arith.constant 0x7F800000 : f32
    %broadcast_in_dim3A_98 = vector.broadcast %jit3A_97 : f32 to vector<512x1024xf32>
    %select_n3A_99 = arith.select %eq3A_96, %slice3A, %broadcast_in_dim3A_98 : vector<512x1024xi1>, vector<512x1024xf32>
    %reduce_min3A_100 = arith.constant dense<0x7F800000> : vector<512xf32>
    %reduce_min3A_101 = vector.multi_reduction <minimumf>, %select_n3A_99, %reduce_min3A_100 [1] : vector<512x1024xf32> to vector<512xf32>
    %broadcast_in_dim3A_102 = vector.shape_cast %reduce_min3A_101 : vector<512xf32> to vector<512x1xf32>
    %convert_element_type3A_103 = arith.truncf %select_n3A_79 : vector<512x1xf32> to vector<512x1xbf16>
    %convert_element_type3A_104 = arith.extf %convert_element_type3A_103 : vector<512x1xbf16> to vector<512x1xf32>
    %lt3A_105 = arith.cmpf olt, %broadcast_in_dim3A_102, %convert_element_type3A_104 : vector<512x1xf32>
    %select_n3A_106 = arith.select %lt3A_105, %broadcast_in_dim3A_102, %select_n3A_79 : vector<512x1xi1>, vector<512x1xf32>
    %add3A_107 = arith.constant 0 : i32
    %add3A_108 = vector.broadcast %add3A_107 : i32 to vector<512x1xi32>
    %add3A_109 = arith.addi %broadcast_in_dim3A_94, %add3A_108 : vector<512x1xi32>
    %select_n3A_110 = arith.select %lt3A_105, %add3A_109, %select_n3A_83 : vector<512x1xi1>, vector<512x1xi32>
    %le3A_111 = vector.broadcast %add3A_30 : vector<512x1xf32> to vector<512x1024xf32>
    %le3A_112 = arith.cmpf ole, %slice3A, %le3A_111 : vector<512x1024xf32>
    %gt3A_113 = vector.broadcast %broadcast_in_dim3A_94 : vector<512x1xi32> to vector<512x1024xi32>
    %gt3A_114 = arith.cmpi sgt, %iota3A, %gt3A_113 : vector<512x1024xi32>
    %and3A_115 = arith.andi %le3A_112, %gt3A_114 : vector<512x1024xi1>
    %jit3A_116 = arith.constant 1024 : i32
    %broadcast_in_dim3A_117 = vector.broadcast %jit3A_116 : i32 to vector<512x1024xi32>
    %select_n3A_118 = arith.select %and3A_115, %iota3A, %broadcast_in_dim3A_117 : vector<512x1024xi1>, vector<512x1024xi32>
    %reduce_min3A_119 = arith.constant dense<2147483647> : vector<512xi32>
    %reduce_min3A_120 = vector.multi_reduction <minsi>, %select_n3A_118, %reduce_min3A_119 [1] : vector<512x1024xi32> to vector<512xi32>
    %broadcast_in_dim3A_121 = vector.shape_cast %reduce_min3A_120 : vector<512xi32> to vector<512x1xi32>
    %eq3A_122 = vector.broadcast %broadcast_in_dim3A_121 : vector<512x1xi32> to vector<512x1024xi32>
    %eq3A_123 = arith.cmpi eq, %iota3A, %eq3A_122 : vector<512x1024xi32>
    %jit3A_124 = arith.constant 0x7F800000 : f32
    %broadcast_in_dim3A_125 = vector.broadcast %jit3A_124 : f32 to vector<512x1024xf32>
    %select_n3A_126 = arith.select %eq3A_123, %slice3A, %broadcast_in_dim3A_125 : vector<512x1024xi1>, vector<512x1024xf32>
    %reduce_min3A_127 = arith.constant dense<0x7F800000> : vector<512xf32>
    %reduce_min3A_128 = vector.multi_reduction <minimumf>, %select_n3A_126, %reduce_min3A_127 [1] : vector<512x1024xf32> to vector<512xf32>
    %broadcast_in_dim3A_129 = vector.shape_cast %reduce_min3A_128 : vector<512xf32> to vector<512x1xf32>
    %convert_element_type3A_130 = arith.truncf %select_n3A_106 : vector<512x1xf32> to vector<512x1xbf16>
    %convert_element_type3A_131 = arith.extf %convert_element_type3A_130 : vector<512x1xbf16> to vector<512x1xf32>
    %lt3A_132 = arith.cmpf olt, %broadcast_in_dim3A_129, %convert_element_type3A_131 : vector<512x1xf32>
    %select_n3A_133 = arith.select %lt3A_132, %broadcast_in_dim3A_129, %select_n3A_106 : vector<512x1xi1>, vector<512x1xf32>
    %add3A_134 = arith.constant 0 : i32
    %add3A_135 = vector.broadcast %add3A_134 : i32 to vector<512x1xi32>
    %add3A_136 = arith.addi %broadcast_in_dim3A_121, %add3A_135 : vector<512x1xi32>
    %select_n3A_137 = arith.select %lt3A_132, %add3A_136, %select_n3A_110 : vector<512x1xi1>, vector<512x1xi32>
    %slice3A_138 = vector.extract_strided_slice %add3A_15 {offsets = [0, 1024], sizes = [512, 1024], strides = [1, 1]} : vector<512x8192xf32> to vector<512x1024xf32>
    %broadcast_in_dim3A_139 = arith.constant -1 : i32
    %broadcast_in_dim3A_140 = vector.broadcast %broadcast_in_dim3A_139 : i32 to vector<512x1xi32>
    %le3A_141 = vector.broadcast %add3A_30 : vector<512x1xf32> to vector<512x1024xf32>
    %le3A_142 = arith.cmpf ole, %slice3A_138, %le3A_141 : vector<512x1024xf32>
    %gt3A_143 = vector.broadcast %broadcast_in_dim3A_140 : vector<512x1xi32> to vector<512x1024xi32>
    %gt3A_144 = arith.cmpi sgt, %iota3A, %gt3A_143 : vector<512x1024xi32>
    %and3A_145 = arith.andi %le3A_142, %gt3A_144 : vector<512x1024xi1>
    %jit3A_146 = arith.constant 1024 : i32
    %broadcast_in_dim3A_147 = vector.broadcast %jit3A_146 : i32 to vector<512x1024xi32>
    %select_n3A_148 = arith.select %and3A_145, %iota3A, %broadcast_in_dim3A_147 : vector<512x1024xi1>, vector<512x1024xi32>
    %reduce_min3A_149 = arith.constant dense<2147483647> : vector<512xi32>
    %reduce_min3A_150 = vector.multi_reduction <minsi>, %select_n3A_148, %reduce_min3A_149 [1] : vector<512x1024xi32> to vector<512xi32>
    %broadcast_in_dim3A_151 = vector.shape_cast %reduce_min3A_150 : vector<512xi32> to vector<512x1xi32>
    %eq3A_152 = vector.broadcast %broadcast_in_dim3A_151 : vector<512x1xi32> to vector<512x1024xi32>
    %eq3A_153 = arith.cmpi eq, %iota3A, %eq3A_152 : vector<512x1024xi32>
    %jit3A_154 = arith.constant 0x7F800000 : f32
    %broadcast_in_dim3A_155 = vector.broadcast %jit3A_154 : f32 to vector<512x1024xf32>
    %select_n3A_156 = arith.select %eq3A_153, %slice3A_138, %broadcast_in_dim3A_155 : vector<512x1024xi1>, vector<512x1024xf32>
    %reduce_min3A_157 = arith.constant dense<0x7F800000> : vector<512xf32>
    %reduce_min3A_158 = vector.multi_reduction <minimumf>, %select_n3A_156, %reduce_min3A_157 [1] : vector<512x1024xf32> to vector<512xf32>
    %broadcast_in_dim3A_159 = vector.shape_cast %reduce_min3A_158 : vector<512xf32> to vector<512x1xf32>
    %convert_element_type3A_160 = arith.truncf %select_n3A_133 : vector<512x1xf32> to vector<512x1xbf16>
    %convert_element_type3A_161 = arith.extf %convert_element_type3A_160 : vector<512x1xbf16> to vector<512x1xf32>
    %lt3A_162 = arith.cmpf olt, %broadcast_in_dim3A_159, %convert_element_type3A_161 : vector<512x1xf32>
    %select_n3A_163 = arith.select %lt3A_162, %broadcast_in_dim3A_159, %select_n3A_133 : vector<512x1xi1>, vector<512x1xf32>
    %add3A_164 = arith.constant 1024 : i32
    %add3A_165 = vector.broadcast %add3A_164 : i32 to vector<512x1xi32>
    %add3A_166 = arith.addi %broadcast_in_dim3A_151, %add3A_165 : vector<512x1xi32>
    %select_n3A_167 = arith.select %lt3A_162, %add3A_166, %select_n3A_137 : vector<512x1xi1>, vector<512x1xi32>
    %le3A_168 = vector.broadcast %add3A_30 : vector<512x1xf32> to vector<512x1024xf32>
    %le3A_169 = arith.cmpf ole, %slice3A_138, %le3A_168 : vector<512x1024xf32>
    %gt3A_170 = vector.broadcast %broadcast_in_dim3A_151 : vector<512x1xi32> to vector<512x1024xi32>
    %gt3A_171 = arith.cmpi sgt, %iota3A, %gt3A_170 : vector<512x1024xi32>
    %and3A_172 = arith.andi %le3A_169, %gt3A_171 : vector<512x1024xi1>
    %jit3A_173 = arith.constant 1024 : i32
    %broadcast_in_dim3A_174 = vector.broadcast %jit3A_173 : i32 to vector<512x1024xi32>
    %select_n3A_175 = arith.select %and3A_172, %iota3A, %broadcast_in_dim3A_174 : vector<512x1024xi1>, vector<512x1024xi32>
    %reduce_min3A_176 = arith.constant dense<2147483647> : vector<512xi32>
    %reduce_min3A_177 = vector.multi_reduction <minsi>, %select_n3A_175, %reduce_min3A_176 [1] : vector<512x1024xi32> to vector<512xi32>
    %broadcast_in_dim3A_178 = vector.shape_cast %reduce_min3A_177 : vector<512xi32> to vector<512x1xi32>
    %eq3A_179 = vector.broadcast %broadcast_in_dim3A_178 : vector<512x1xi32> to vector<512x1024xi32>
    %eq3A_180 = arith.cmpi eq, %iota3A, %eq3A_179 : vector<512x1024xi32>
    %jit3A_181 = arith.constant 0x7F800000 : f32
    %broadcast_in_dim3A_182 = vector.broadcast %jit3A_181 : f32 to vector<512x1024xf32>
    %select_n3A_183 = arith.select %eq3A_180, %slice3A_138, %broadcast_in_dim3A_182 : vector<512x1024xi1>, vector<512x1024xf32>
    %reduce_min3A_184 = arith.constant dense<0x7F800000> : vector<512xf32>
    %reduce_min3A_185 = vector.multi_reduction <minimumf>, %select_n3A_183, %reduce_min3A_184 [1] : vector<512x1024xf32> to vector<512xf32>
    %broadcast_in_dim3A_186 = vector.shape_cast %reduce_min3A_185 : vector<512xf32> to vector<512x1xf32>
    %convert_element_type3A_187 = arith.truncf %select_n3A_163 : vector<512x1xf32> to vector<512x1xbf16>
    %convert_element_type3A_188 = arith.extf %convert_element_type3A_187 : vector<512x1xbf16> to vector<512x1xf32>
    %lt3A_189 = arith.cmpf olt, %broadcast_in_dim3A_186, %convert_element_type3A_188 : vector<512x1xf32>
    %select_n3A_190 = arith.select %lt3A_189, %broadcast_in_dim3A_186, %select_n3A_163 : vector<512x1xi1>, vector<512x1xf32>
    %add3A_191 = arith.constant 1024 : i32
    %add3A_192 = vector.broadcast %add3A_191 : i32 to vector<512x1xi32>
    %add3A_193 = arith.addi %broadcast_in_dim3A_178, %add3A_192 : vector<512x1xi32>
    %select_n3A_194 = arith.select %lt3A_189, %add3A_193, %select_n3A_167 : vector<512x1xi1>, vector<512x1xi32>
    %le3A_195 = vector.broadcast %add3A_30 : vector<512x1xf32> to vector<512x1024xf32>
    %le3A_196 = arith.cmpf ole, %slice3A_138, %le3A_195 : vector<512x1024xf32>
    %gt3A_197 = vector.broadcast %broadcast_in_dim3A_178 : vector<512x1xi32> to vector<512x1024xi32>
    %gt3A_198 = arith.cmpi sgt, %iota3A, %gt3A_197 : vector<512x1024xi32>
    %and3A_199 = arith.andi %le3A_196, %gt3A_198 : vector<512x1024xi1>
    %jit3A_200 = arith.constant 1024 : i32
    %broadcast_in_dim3A_201 = vector.broadcast %jit3A_200 : i32 to vector<512x1024xi32>
    %select_n3A_202 = arith.select %and3A_199, %iota3A, %broadcast_in_dim3A_201 : vector<512x1024xi1>, vector<512x1024xi32>
    %reduce_min3A_203 = arith.constant dense<2147483647> : vector<512xi32>
    %reduce_min3A_204 = vector.multi_reduction <minsi>, %select_n3A_202, %reduce_min3A_203 [1] : vector<512x1024xi32> to vector<512xi32>
    %broadcast_in_dim3A_205 = vector.shape_cast %reduce_min3A_204 : vector<512xi32> to vector<512x1xi32>
    %eq3A_206 = vector.broadcast %broadcast_in_dim3A_205 : vector<512x1xi32> to vector<512x1024xi32>
    %eq3A_207 = arith.cmpi eq, %iota3A, %eq3A_206 : vector<512x1024xi32>
    %jit3A_208 = arith.constant 0x7F800000 : f32
    %broadcast_in_dim3A_209 = vector.broadcast %jit3A_208 : f32 to vector<512x1024xf32>
    %select_n3A_210 = arith.select %eq3A_207, %slice3A_138, %broadcast_in_dim3A_209 : vector<512x1024xi1>, vector<512x1024xf32>
    %reduce_min3A_211 = arith.constant dense<0x7F800000> : vector<512xf32>
    %reduce_min3A_212 = vector.multi_reduction <minimumf>, %select_n3A_210, %reduce_min3A_211 [1] : vector<512x1024xf32> to vector<512xf32>
    %broadcast_in_dim3A_213 = vector.shape_cast %reduce_min3A_212 : vector<512xf32> to vector<512x1xf32>
    %convert_element_type3A_214 = arith.truncf %select_n3A_190 : vector<512x1xf32> to vector<512x1xbf16>
    %convert_element_type3A_215 = arith.extf %convert_element_type3A_214 : vector<512x1xbf16> to vector<512x1xf32>
    %lt3A_216 = arith.cmpf olt, %broadcast_in_dim3A_213, %convert_element_type3A_215 : vector<512x1xf32>
    %select_n3A_217 = arith.select %lt3A_216, %broadcast_in_dim3A_213, %select_n3A_190 : vector<512x1xi1>, vector<512x1xf32>
    %add3A_218 = arith.constant 1024 : i32
    %add3A_219 = vector.broadcast %add3A_218 : i32 to vector<512x1xi32>
    %add3A_220 = arith.addi %broadcast_in_dim3A_205, %add3A_219 : vector<512x1xi32>
    %select_n3A_221 = arith.select %lt3A_216, %add3A_220, %select_n3A_194 : vector<512x1xi1>, vector<512x1xi32>
    %le3A_222 = vector.broadcast %add3A_30 : vector<512x1xf32> to vector<512x1024xf32>
    %le3A_223 = arith.cmpf ole, %slice3A_138, %le3A_222 : vector<512x1024xf32>
    %gt3A_224 = vector.broadcast %broadcast_in_dim3A_205 : vector<512x1xi32> to vector<512x1024xi32>
    %gt3A_225 = arith.cmpi sgt, %iota3A, %gt3A_224 : vector<512x1024xi32>
    %and3A_226 = arith.andi %le3A_223, %gt3A_225 : vector<512x1024xi1>
    %jit3A_227 = arith.constant 1024 : i32
    %broadcast_in_dim3A_228 = vector.broadcast %jit3A_227 : i32 to vector<512x1024xi32>
    %select_n3A_229 = arith.select %and3A_226, %iota3A, %broadcast_in_dim3A_228 : vector<512x1024xi1>, vector<512x1024xi32>
    %reduce_min3A_230 = arith.constant dense<2147483647> : vector<512xi32>
    %reduce_min3A_231 = vector.multi_reduction <minsi>, %select_n3A_229, %reduce_min3A_230 [1] : vector<512x1024xi32> to vector<512xi32>
    %broadcast_in_dim3A_232 = vector.shape_cast %reduce_min3A_231 : vector<512xi32> to vector<512x1xi32>
    %eq3A_233 = vector.broadcast %broadcast_in_dim3A_232 : vector<512x1xi32> to vector<512x1024xi32>
    %eq3A_234 = arith.cmpi eq, %iota3A, %eq3A_233 : vector<512x1024xi32>
    %jit3A_235 = arith.constant 0x7F800000 : f32
    %broadcast_in_dim3A_236 = vector.broadcast %jit3A_235 : f32 to vector<512x1024xf32>
    %select_n3A_237 = arith.select %eq3A_234, %slice3A_138, %broadcast_in_dim3A_236 : vector<512x1024xi1>, vector<512x1024xf32>
    %reduce_min3A_238 = arith.constant dense<0x7F800000> : vector<512xf32>
    %reduce_min3A_239 = vector.multi_reduction <minimumf>, %select_n3A_237, %reduce_min3A_238 [1] : vector<512x1024xf32> to vector<512xf32>
    %broadcast_in_dim3A_240 = vector.shape_cast %reduce_min3A_239 : vector<512xf32> to vector<512x1xf32>
    %convert_element_type3A_241 = arith.truncf %select_n3A_217 : vector<512x1xf32> to vector<512x1xbf16>
    %convert_element_type3A_242 = arith.extf %convert_element_type3A_241 : vector<512x1xbf16> to vector<512x1xf32>
    %lt3A_243 = arith.cmpf olt, %broadcast_in_dim3A_240, %convert_element_type3A_242 : vector<512x1xf32>
    %select_n3A_244 = arith.select %lt3A_243, %broadcast_in_dim3A_240, %select_n3A_217 : vector<512x1xi1>, vector<512x1xf32>
    %add3A_245 = arith.constant 1024 : i32
    %add3A_246 = vector.broadcast %add3A_245 : i32 to vector<512x1xi32>
    %add3A_247 = arith.addi %broadcast_in_dim3A_232, %add3A_246 : vector<512x1xi32>
    %select_n3A_248 = arith.select %lt3A_243, %add3A_247, %select_n3A_221 : vector<512x1xi1>, vector<512x1xi32>
    %slice3A_249 = vector.extract_strided_slice %add3A_15 {offsets = [0, 2048], sizes = [512, 1024], strides = [1, 1]} : vector<512x8192xf32> to vector<512x1024xf32>
    %broadcast_in_dim3A_250 = arith.constant -1 : i32
    %broadcast_in_dim3A_251 = vector.broadcast %broadcast_in_dim3A_250 : i32 to vector<512x1xi32>
    %le3A_252 = vector.broadcast %add3A_30 : vector<512x1xf32> to vector<512x1024xf32>
    %le3A_253 = arith.cmpf ole, %slice3A_249, %le3A_252 : vector<512x1024xf32>
    %gt3A_254 = vector.broadcast %broadcast_in_dim3A_251 : vector<512x1xi32> to vector<512x1024xi32>
    %gt3A_255 = arith.cmpi sgt, %iota3A, %gt3A_254 : vector<512x1024xi32>
    %and3A_256 = arith.andi %le3A_253, %gt3A_255 : vector<512x1024xi1>
    %jit3A_257 = arith.constant 1024 : i32
    %broadcast_in_dim3A_258 = vector.broadcast %jit3A_257 : i32 to vector<512x1024xi32>
    %select_n3A_259 = arith.select %and3A_256, %iota3A, %broadcast_in_dim3A_258 : vector<512x1024xi1>, vector<512x1024xi32>
    %reduce_min3A_260 = arith.constant dense<2147483647> : vector<512xi32>
    %reduce_min3A_261 = vector.multi_reduction <minsi>, %select_n3A_259, %reduce_min3A_260 [1] : vector<512x1024xi32> to vector<512xi32>
    %broadcast_in_dim3A_262 = vector.shape_cast %reduce_min3A_261 : vector<512xi32> to vector<512x1xi32>
    %eq3A_263 = vector.broadcast %broadcast_in_dim3A_262 : vector<512x1xi32> to vector<512x1024xi32>
    %eq3A_264 = arith.cmpi eq, %iota3A, %eq3A_263 : vector<512x1024xi32>
    %jit3A_265 = arith.constant 0x7F800000 : f32
    %broadcast_in_dim3A_266 = vector.broadcast %jit3A_265 : f32 to vector<512x1024xf32>
    %select_n3A_267 = arith.select %eq3A_264, %slice3A_249, %broadcast_in_dim3A_266 : vector<512x1024xi1>, vector<512x1024xf32>
    %reduce_min3A_268 = arith.constant dense<0x7F800000> : vector<512xf32>
    %reduce_min3A_269 = vector.multi_reduction <minimumf>, %select_n3A_267, %reduce_min3A_268 [1] : vector<512x1024xf32> to vector<512xf32>
    %broadcast_in_dim3A_270 = vector.shape_cast %reduce_min3A_269 : vector<512xf32> to vector<512x1xf32>
    %convert_element_type3A_271 = arith.truncf %select_n3A_244 : vector<512x1xf32> to vector<512x1xbf16>
    %convert_element_type3A_272 = arith.extf %convert_element_type3A_271 : vector<512x1xbf16> to vector<512x1xf32>
    %lt3A_273 = arith.cmpf olt, %broadcast_in_dim3A_270, %convert_element_type3A_272 : vector<512x1xf32>
    %select_n3A_274 = arith.select %lt3A_273, %broadcast_in_dim3A_270, %select_n3A_244 : vector<512x1xi1>, vector<512x1xf32>
    %add3A_275 = arith.constant 2048 : i32
    %add3A_276 = vector.broadcast %add3A_275 : i32 to vector<512x1xi32>
    %add3A_277 = arith.addi %broadcast_in_dim3A_262, %add3A_276 : vector<512x1xi32>
    %select_n3A_278 = arith.select %lt3A_273, %add3A_277, %select_n3A_248 : vector<512x1xi1>, vector<512x1xi32>
    %le3A_279 = vector.broadcast %add3A_30 : vector<512x1xf32> to vector<512x1024xf32>
    %le3A_280 = arith.cmpf ole, %slice3A_249, %le3A_279 : vector<512x1024xf32>
    %gt3A_281 = vector.broadcast %broadcast_in_dim3A_262 : vector<512x1xi32> to vector<512x1024xi32>
    %gt3A_282 = arith.cmpi sgt, %iota3A, %gt3A_281 : vector<512x1024xi32>
    %and3A_283 = arith.andi %le3A_280, %gt3A_282 : vector<512x1024xi1>
    %jit3A_284 = arith.constant 1024 : i32
    %broadcast_in_dim3A_285 = vector.broadcast %jit3A_284 : i32 to vector<512x1024xi32>
    %select_n3A_286 = arith.select %and3A_283, %iota3A, %broadcast_in_dim3A_285 : vector<512x1024xi1>, vector<512x1024xi32>
    %reduce_min3A_287 = arith.constant dense<2147483647> : vector<512xi32>
    %reduce_min3A_288 = vector.multi_reduction <minsi>, %select_n3A_286, %reduce_min3A_287 [1] : vector<512x1024xi32> to vector<512xi32>
    %broadcast_in_dim3A_289 = vector.shape_cast %reduce_min3A_288 : vector<512xi32> to vector<512x1xi32>
    %eq3A_290 = vector.broadcast %broadcast_in_dim3A_289 : vector<512x1xi32> to vector<512x1024xi32>
    %eq3A_291 = arith.cmpi eq, %iota3A, %eq3A_290 : vector<512x1024xi32>
    %jit3A_292 = arith.constant 0x7F800000 : f32
    %broadcast_in_dim3A_293 = vector.broadcast %jit3A_292 : f32 to vector<512x1024xf32>
    %select_n3A_294 = arith.select %eq3A_291, %slice3A_249, %broadcast_in_dim3A_293 : vector<512x1024xi1>, vector<512x1024xf32>
    %reduce_min3A_295 = arith.constant dense<0x7F800000> : vector<512xf32>
    %reduce_min3A_296 = vector.multi_reduction <minimumf>, %select_n3A_294, %reduce_min3A_295 [1] : vector<512x1024xf32> to vector<512xf32>
    %broadcast_in_dim3A_297 = vector.shape_cast %reduce_min3A_296 : vector<512xf32> to vector<512x1xf32>
    %convert_element_type3A_298 = arith.truncf %select_n3A_274 : vector<512x1xf32> to vector<512x1xbf16>
    %convert_element_type3A_299 = arith.extf %convert_element_type3A_298 : vector<512x1xbf16> to vector<512x1xf32>
    %lt3A_300 = arith.cmpf olt, %broadcast_in_dim3A_297, %convert_element_type3A_299 : vector<512x1xf32>
    %select_n3A_301 = arith.select %lt3A_300, %broadcast_in_dim3A_297, %select_n3A_274 : vector<512x1xi1>, vector<512x1xf32>
    %add3A_302 = arith.constant 2048 : i32
    %add3A_303 = vector.broadcast %add3A_302 : i32 to vector<512x1xi32>
    %add3A_304 = arith.addi %broadcast_in_dim3A_289, %add3A_303 : vector<512x1xi32>
    %select_n3A_305 = arith.select %lt3A_300, %add3A_304, %select_n3A_278 : vector<512x1xi1>, vector<512x1xi32>
    %le3A_306 = vector.broadcast %add3A_30 : vector<512x1xf32> to vector<512x1024xf32>
    %le3A_307 = arith.cmpf ole, %slice3A_249, %le3A_306 : vector<512x1024xf32>
    %gt3A_308 = vector.broadcast %broadcast_in_dim3A_289 : vector<512x1xi32> to vector<512x1024xi32>
    %gt3A_309 = arith.cmpi sgt, %iota3A, %gt3A_308 : vector<512x1024xi32>
    %and3A_310 = arith.andi %le3A_307, %gt3A_309 : vector<512x1024xi1>
    %jit3A_311 = arith.constant 1024 : i32
    %broadcast_in_dim3A_312 = vector.broadcast %jit3A_311 : i32 to vector<512x1024xi32>
    %select_n3A_313 = arith.select %and3A_310, %iota3A, %broadcast_in_dim3A_312 : vector<512x1024xi1>, vector<512x1024xi32>
    %reduce_min3A_314 = arith.constant dense<2147483647> : vector<512xi32>
    %reduce_min3A_315 = vector.multi_reduction <minsi>, %select_n3A_313, %reduce_min3A_314 [1] : vector<512x1024xi32> to vector<512xi32>
    %broadcast_in_dim3A_316 = vector.shape_cast %reduce_min3A_315 : vector<512xi32> to vector<512x1xi32>
    %eq3A_317 = vector.broadcast %broadcast_in_dim3A_316 : vector<512x1xi32> to vector<512x1024xi32>
    %eq3A_318 = arith.cmpi eq, %iota3A, %eq3A_317 : vector<512x1024xi32>
    %jit3A_319 = arith.constant 0x7F800000 : f32
    %broadcast_in_dim3A_320 = vector.broadcast %jit3A_319 : f32 to vector<512x1024xf32>
    %select_n3A_321 = arith.select %eq3A_318, %slice3A_249, %broadcast_in_dim3A_320 : vector<512x1024xi1>, vector<512x1024xf32>
    %reduce_min3A_322 = arith.constant dense<0x7F800000> : vector<512xf32>
    %reduce_min3A_323 = vector.multi_reduction <minimumf>, %select_n3A_321, %reduce_min3A_322 [1] : vector<512x1024xf32> to vector<512xf32>
    %broadcast_in_dim3A_324 = vector.shape_cast %reduce_min3A_323 : vector<512xf32> to vector<512x1xf32>
    %convert_element_type3A_325 = arith.truncf %select_n3A_301 : vector<512x1xf32> to vector<512x1xbf16>
    %convert_element_type3A_326 = arith.extf %convert_element_type3A_325 : vector<512x1xbf16> to vector<512x1xf32>
    %lt3A_327 = arith.cmpf olt, %broadcast_in_dim3A_324, %convert_element_type3A_326 : vector<512x1xf32>
    %select_n3A_328 = arith.select %lt3A_327, %broadcast_in_dim3A_324, %select_n3A_301 : vector<512x1xi1>, vector<512x1xf32>
    %add3A_329 = arith.constant 2048 : i32
    %add3A_330 = vector.broadcast %add3A_329 : i32 to vector<512x1xi32>
    %add3A_331 = arith.addi %broadcast_in_dim3A_316, %add3A_330 : vector<512x1xi32>
    %select_n3A_332 = arith.select %lt3A_327, %add3A_331, %select_n3A_305 : vector<512x1xi1>, vector<512x1xi32>
    %le3A_333 = vector.broadcast %add3A_30 : vector<512x1xf32> to vector<512x1024xf32>
    %le3A_334 = arith.cmpf ole, %slice3A_249, %le3A_333 : vector<512x1024xf32>
    %gt3A_335 = vector.broadcast %broadcast_in_dim3A_316 : vector<512x1xi32> to vector<512x1024xi32>
    %gt3A_336 = arith.cmpi sgt, %iota3A, %gt3A_335 : vector<512x1024xi32>
    %and3A_337 = arith.andi %le3A_334, %gt3A_336 : vector<512x1024xi1>
    %jit3A_338 = arith.constant 1024 : i32
    %broadcast_in_dim3A_339 = vector.broadcast %jit3A_338 : i32 to vector<512x1024xi32>
    %select_n3A_340 = arith.select %and3A_337, %iota3A, %broadcast_in_dim3A_339 : vector<512x1024xi1>, vector<512x1024xi32>
    %reduce_min3A_341 = arith.constant dense<2147483647> : vector<512xi32>
    %reduce_min3A_342 = vector.multi_reduction <minsi>, %select_n3A_340, %reduce_min3A_341 [1] : vector<512x1024xi32> to vector<512xi32>
    %broadcast_in_dim3A_343 = vector.shape_cast %reduce_min3A_342 : vector<512xi32> to vector<512x1xi32>
    %eq3A_344 = vector.broadcast %broadcast_in_dim3A_343 : vector<512x1xi32> to vector<512x1024xi32>
    %eq3A_345 = arith.cmpi eq, %iota3A, %eq3A_344 : vector<512x1024xi32>
    %jit3A_346 = arith.constant 0x7F800000 : f32
    %broadcast_in_dim3A_347 = vector.broadcast %jit3A_346 : f32 to vector<512x1024xf32>
    %select_n3A_348 = arith.select %eq3A_345, %slice3A_249, %broadcast_in_dim3A_347 : vector<512x1024xi1>, vector<512x1024xf32>
    %reduce_min3A_349 = arith.constant dense<0x7F800000> : vector<512xf32>
    %reduce_min3A_350 = vector.multi_reduction <minimumf>, %select_n3A_348, %reduce_min3A_349 [1] : vector<512x1024xf32> to vector<512xf32>
    %broadcast_in_dim3A_351 = vector.shape_cast %reduce_min3A_350 : vector<512xf32> to vector<512x1xf32>
    %convert_element_type3A_352 = arith.truncf %select_n3A_328 : vector<512x1xf32> to vector<512x1xbf16>
    %convert_element_type3A_353 = arith.extf %convert_element_type3A_352 : vector<512x1xbf16> to vector<512x1xf32>
    %lt3A_354 = arith.cmpf olt, %broadcast_in_dim3A_351, %convert_element_type3A_353 : vector<512x1xf32>
    %select_n3A_355 = arith.select %lt3A_354, %broadcast_in_dim3A_351, %select_n3A_328 : vector<512x1xi1>, vector<512x1xf32>
    %add3A_356 = arith.constant 2048 : i32
    %add3A_357 = vector.broadcast %add3A_356 : i32 to vector<512x1xi32>
    %add3A_358 = arith.addi %broadcast_in_dim3A_343, %add3A_357 : vector<512x1xi32>
    %select_n3A_359 = arith.select %lt3A_354, %add3A_358, %select_n3A_332 : vector<512x1xi1>, vector<512x1xi32>
    %slice3A_360 = vector.extract_strided_slice %add3A_15 {offsets = [0, 3072], sizes = [512, 1024], strides = [1, 1]} : vector<512x8192xf32> to vector<512x1024xf32>
    %broadcast_in_dim3A_361 = arith.constant -1 : i32
    %broadcast_in_dim3A_362 = vector.broadcast %broadcast_in_dim3A_361 : i32 to vector<512x1xi32>
    %le3A_363 = vector.broadcast %add3A_30 : vector<512x1xf32> to vector<512x1024xf32>
    %le3A_364 = arith.cmpf ole, %slice3A_360, %le3A_363 : vector<512x1024xf32>
    %gt3A_365 = vector.broadcast %broadcast_in_dim3A_362 : vector<512x1xi32> to vector<512x1024xi32>
    %gt3A_366 = arith.cmpi sgt, %iota3A, %gt3A_365 : vector<512x1024xi32>
    %and3A_367 = arith.andi %le3A_364, %gt3A_366 : vector<512x1024xi1>
    %jit3A_368 = arith.constant 1024 : i32
    %broadcast_in_dim3A_369 = vector.broadcast %jit3A_368 : i32 to vector<512x1024xi32>
    %select_n3A_370 = arith.select %and3A_367, %iota3A, %broadcast_in_dim3A_369 : vector<512x1024xi1>, vector<512x1024xi32>
    %reduce_min3A_371 = arith.constant dense<2147483647> : vector<512xi32>
    %reduce_min3A_372 = vector.multi_reduction <minsi>, %select_n3A_370, %reduce_min3A_371 [1] : vector<512x1024xi32> to vector<512xi32>
    %broadcast_in_dim3A_373 = vector.shape_cast %reduce_min3A_372 : vector<512xi32> to vector<512x1xi32>
    %eq3A_374 = vector.broadcast %broadcast_in_dim3A_373 : vector<512x1xi32> to vector<512x1024xi32>
    %eq3A_375 = arith.cmpi eq, %iota3A, %eq3A_374 : vector<512x1024xi32>
    %jit3A_376 = arith.constant 0x7F800000 : f32
    %broadcast_in_dim3A_377 = vector.broadcast %jit3A_376 : f32 to vector<512x1024xf32>
    %select_n3A_378 = arith.select %eq3A_375, %slice3A_360, %broadcast_in_dim3A_377 : vector<512x1024xi1>, vector<512x1024xf32>
    %reduce_min3A_379 = arith.constant dense<0x7F800000> : vector<512xf32>
    %reduce_min3A_380 = vector.multi_reduction <minimumf>, %select_n3A_378, %reduce_min3A_379 [1] : vector<512x1024xf32> to vector<512xf32>
    %broadcast_in_dim3A_381 = vector.shape_cast %reduce_min3A_380 : vector<512xf32> to vector<512x1xf32>
    %convert_element_type3A_382 = arith.truncf %select_n3A_355 : vector<512x1xf32> to vector<512x1xbf16>
    %convert_element_type3A_383 = arith.extf %convert_element_type3A_382 : vector<512x1xbf16> to vector<512x1xf32>
    %lt3A_384 = arith.cmpf olt, %broadcast_in_dim3A_381, %convert_element_type3A_383 : vector<512x1xf32>
    %select_n3A_385 = arith.select %lt3A_384, %broadcast_in_dim3A_381, %select_n3A_355 : vector<512x1xi1>, vector<512x1xf32>
    %add3A_386 = arith.constant 3072 : i32
    %add3A_387 = vector.broadcast %add3A_386 : i32 to vector<512x1xi32>
    %add3A_388 = arith.addi %broadcast_in_dim3A_373, %add3A_387 : vector<512x1xi32>
    %select_n3A_389 = arith.select %lt3A_384, %add3A_388, %select_n3A_359 : vector<512x1xi1>, vector<512x1xi32>
    %le3A_390 = vector.broadcast %add3A_30 : vector<512x1xf32> to vector<512x1024xf32>
    %le3A_391 = arith.cmpf ole, %slice3A_360, %le3A_390 : vector<512x1024xf32>
    %gt3A_392 = vector.broadcast %broadcast_in_dim3A_373 : vector<512x1xi32> to vector<512x1024xi32>
    %gt3A_393 = arith.cmpi sgt, %iota3A, %gt3A_392 : vector<512x1024xi32>
    %and3A_394 = arith.andi %le3A_391, %gt3A_393 : vector<512x1024xi1>
    %jit3A_395 = arith.constant 1024 : i32
    %broadcast_in_dim3A_396 = vector.broadcast %jit3A_395 : i32 to vector<512x1024xi32>
    %select_n3A_397 = arith.select %and3A_394, %iota3A, %broadcast_in_dim3A_396 : vector<512x1024xi1>, vector<512x1024xi32>
    %reduce_min3A_398 = arith.constant dense<2147483647> : vector<512xi32>
    %reduce_min3A_399 = vector.multi_reduction <minsi>, %select_n3A_397, %reduce_min3A_398 [1] : vector<512x1024xi32> to vector<512xi32>
    %broadcast_in_dim3A_400 = vector.shape_cast %reduce_min3A_399 : vector<512xi32> to vector<512x1xi32>
    %eq3A_401 = vector.broadcast %broadcast_in_dim3A_400 : vector<512x1xi32> to vector<512x1024xi32>
    %eq3A_402 = arith.cmpi eq, %iota3A, %eq3A_401 : vector<512x1024xi32>
    %jit3A_403 = arith.constant 0x7F800000 : f32
    %broadcast_in_dim3A_404 = vector.broadcast %jit3A_403 : f32 to vector<512x1024xf32>
    %select_n3A_405 = arith.select %eq3A_402, %slice3A_360, %broadcast_in_dim3A_404 : vector<512x1024xi1>, vector<512x1024xf32>
    %reduce_min3A_406 = arith.constant dense<0x7F800000> : vector<512xf32>
    %reduce_min3A_407 = vector.multi_reduction <minimumf>, %select_n3A_405, %reduce_min3A_406 [1] : vector<512x1024xf32> to vector<512xf32>
    %broadcast_in_dim3A_408 = vector.shape_cast %reduce_min3A_407 : vector<512xf32> to vector<512x1xf32>
    %convert_element_type3A_409 = arith.truncf %select_n3A_385 : vector<512x1xf32> to vector<512x1xbf16>
    %convert_element_type3A_410 = arith.extf %convert_element_type3A_409 : vector<512x1xbf16> to vector<512x1xf32>
    %lt3A_411 = arith.cmpf olt, %broadcast_in_dim3A_408, %convert_element_type3A_410 : vector<512x1xf32>
    %select_n3A_412 = arith.select %lt3A_411, %broadcast_in_dim3A_408, %select_n3A_385 : vector<512x1xi1>, vector<512x1xf32>
    %add3A_413 = arith.constant 3072 : i32
    %add3A_414 = vector.broadcast %add3A_413 : i32 to vector<512x1xi32>
    %add3A_415 = arith.addi %broadcast_in_dim3A_400, %add3A_414 : vector<512x1xi32>
    %select_n3A_416 = arith.select %lt3A_411, %add3A_415, %select_n3A_389 : vector<512x1xi1>, vector<512x1xi32>
    %le3A_417 = vector.broadcast %add3A_30 : vector<512x1xf32> to vector<512x1024xf32>
    %le3A_418 = arith.cmpf ole, %slice3A_360, %le3A_417 : vector<512x1024xf32>
    %gt3A_419 = vector.broadcast %broadcast_in_dim3A_400 : vector<512x1xi32> to vector<512x1024xi32>
    %gt3A_420 = arith.cmpi sgt, %iota3A, %gt3A_419 : vector<512x1024xi32>
    %and3A_421 = arith.andi %le3A_418, %gt3A_420 : vector<512x1024xi1>
    %jit3A_422 = arith.constant 1024 : i32
    %broadcast_in_dim3A_423 = vector.broadcast %jit3A_422 : i32 to vector<512x1024xi32>
    %select_n3A_424 = arith.select %and3A_421, %iota3A, %broadcast_in_dim3A_423 : vector<512x1024xi1>, vector<512x1024xi32>
    %reduce_min3A_425 = arith.constant dense<2147483647> : vector<512xi32>
    %reduce_min3A_426 = vector.multi_reduction <minsi>, %select_n3A_424, %reduce_min3A_425 [1] : vector<512x1024xi32> to vector<512xi32>
    %broadcast_in_dim3A_427 = vector.shape_cast %reduce_min3A_426 : vector<512xi32> to vector<512x1xi32>
    %eq3A_428 = vector.broadcast %broadcast_in_dim3A_427 : vector<512x1xi32> to vector<512x1024xi32>
    %eq3A_429 = arith.cmpi eq, %iota3A, %eq3A_428 : vector<512x1024xi32>
    %jit3A_430 = arith.constant 0x7F800000 : f32
    %broadcast_in_dim3A_431 = vector.broadcast %jit3A_430 : f32 to vector<512x1024xf32>
    %select_n3A_432 = arith.select %eq3A_429, %slice3A_360, %broadcast_in_dim3A_431 : vector<512x1024xi1>, vector<512x1024xf32>
    %reduce_min3A_433 = arith.constant dense<0x7F800000> : vector<512xf32>
    %reduce_min3A_434 = vector.multi_reduction <minimumf>, %select_n3A_432, %reduce_min3A_433 [1] : vector<512x1024xf32> to vector<512xf32>
    %broadcast_in_dim3A_435 = vector.shape_cast %reduce_min3A_434 : vector<512xf32> to vector<512x1xf32>
    %convert_element_type3A_436 = arith.truncf %select_n3A_412 : vector<512x1xf32> to vector<512x1xbf16>
    %convert_element_type3A_437 = arith.extf %convert_element_type3A_436 : vector<512x1xbf16> to vector<512x1xf32>
    %lt3A_438 = arith.cmpf olt, %broadcast_in_dim3A_435, %convert_element_type3A_437 : vector<512x1xf32>
    %select_n3A_439 = arith.select %lt3A_438, %broadcast_in_dim3A_435, %select_n3A_412 : vector<512x1xi1>, vector<512x1xf32>
    %add3A_440 = arith.constant 3072 : i32
    %add3A_441 = vector.broadcast %add3A_440 : i32 to vector<512x1xi32>
    %add3A_442 = arith.addi %broadcast_in_dim3A_427, %add3A_441 : vector<512x1xi32>
    %select_n3A_443 = arith.select %lt3A_438, %add3A_442, %select_n3A_416 : vector<512x1xi1>, vector<512x1xi32>
    %le3A_444 = vector.broadcast %add3A_30 : vector<512x1xf32> to vector<512x1024xf32>
    %le3A_445 = arith.cmpf ole, %slice3A_360, %le3A_444 : vector<512x1024xf32>
    %gt3A_446 = vector.broadcast %broadcast_in_dim3A_427 : vector<512x1xi32> to vector<512x1024xi32>
    %gt3A_447 = arith.cmpi sgt, %iota3A, %gt3A_446 : vector<512x1024xi32>
    %and3A_448 = arith.andi %le3A_445, %gt3A_447 : vector<512x1024xi1>
    %jit3A_449 = arith.constant 1024 : i32
    %broadcast_in_dim3A_450 = vector.broadcast %jit3A_449 : i32 to vector<512x1024xi32>
    %select_n3A_451 = arith.select %and3A_448, %iota3A, %broadcast_in_dim3A_450 : vector<512x1024xi1>, vector<512x1024xi32>
    %reduce_min3A_452 = arith.constant dense<2147483647> : vector<512xi32>
    %reduce_min3A_453 = vector.multi_reduction <minsi>, %select_n3A_451, %reduce_min3A_452 [1] : vector<512x1024xi32> to vector<512xi32>
    %broadcast_in_dim3A_454 = vector.shape_cast %reduce_min3A_453 : vector<512xi32> to vector<512x1xi32>
    %eq3A_455 = vector.broadcast %broadcast_in_dim3A_454 : vector<512x1xi32> to vector<512x1024xi32>
    %eq3A_456 = arith.cmpi eq, %iota3A, %eq3A_455 : vector<512x1024xi32>
    %jit3A_457 = arith.constant 0x7F800000 : f32
    %broadcast_in_dim3A_458 = vector.broadcast %jit3A_457 : f32 to vector<512x1024xf32>
    %select_n3A_459 = arith.select %eq3A_456, %slice3A_360, %broadcast_in_dim3A_458 : vector<512x1024xi1>, vector<512x1024xf32>
    %reduce_min3A_460 = arith.constant dense<0x7F800000> : vector<512xf32>
    %reduce_min3A_461 = vector.multi_reduction <minimumf>, %select_n3A_459, %reduce_min3A_460 [1] : vector<512x1024xf32> to vector<512xf32>
    %broadcast_in_dim3A_462 = vector.shape_cast %reduce_min3A_461 : vector<512xf32> to vector<512x1xf32>
    %convert_element_type3A_463 = arith.truncf %select_n3A_439 : vector<512x1xf32> to vector<512x1xbf16>
    %convert_element_type3A_464 = arith.extf %convert_element_type3A_463 : vector<512x1xbf16> to vector<512x1xf32>
    %lt3A_465 = arith.cmpf olt, %broadcast_in_dim3A_462, %convert_element_type3A_464 : vector<512x1xf32>
    %select_n3A_466 = arith.select %lt3A_465, %broadcast_in_dim3A_462, %select_n3A_439 : vector<512x1xi1>, vector<512x1xf32>
    %add3A_467 = arith.constant 3072 : i32
    %add3A_468 = vector.broadcast %add3A_467 : i32 to vector<512x1xi32>
    %add3A_469 = arith.addi %broadcast_in_dim3A_454, %add3A_468 : vector<512x1xi32>
    %select_n3A_470 = arith.select %lt3A_465, %add3A_469, %select_n3A_443 : vector<512x1xi1>, vector<512x1xi32>
    %slice3A_471 = vector.extract_strided_slice %add3A_15 {offsets = [0, 4096], sizes = [512, 1024], strides = [1, 1]} : vector<512x8192xf32> to vector<512x1024xf32>
    %broadcast_in_dim3A_472 = arith.constant -1 : i32
    %broadcast_in_dim3A_473 = vector.broadcast %broadcast_in_dim3A_472 : i32 to vector<512x1xi32>
    %le3A_474 = vector.broadcast %add3A_30 : vector<512x1xf32> to vector<512x1024xf32>
    %le3A_475 = arith.cmpf ole, %slice3A_471, %le3A_474 : vector<512x1024xf32>
    %gt3A_476 = vector.broadcast %broadcast_in_dim3A_473 : vector<512x1xi32> to vector<512x1024xi32>
    %gt3A_477 = arith.cmpi sgt, %iota3A, %gt3A_476 : vector<512x1024xi32>
    %and3A_478 = arith.andi %le3A_475, %gt3A_477 : vector<512x1024xi1>
    %jit3A_479 = arith.constant 1024 : i32
    %broadcast_in_dim3A_480 = vector.broadcast %jit3A_479 : i32 to vector<512x1024xi32>
    %select_n3A_481 = arith.select %and3A_478, %iota3A, %broadcast_in_dim3A_480 : vector<512x1024xi1>, vector<512x1024xi32>
    %reduce_min3A_482 = arith.constant dense<2147483647> : vector<512xi32>
    %reduce_min3A_483 = vector.multi_reduction <minsi>, %select_n3A_481, %reduce_min3A_482 [1] : vector<512x1024xi32> to vector<512xi32>
    %broadcast_in_dim3A_484 = vector.shape_cast %reduce_min3A_483 : vector<512xi32> to vector<512x1xi32>
    %eq3A_485 = vector.broadcast %broadcast_in_dim3A_484 : vector<512x1xi32> to vector<512x1024xi32>
    %eq3A_486 = arith.cmpi eq, %iota3A, %eq3A_485 : vector<512x1024xi32>
    %jit3A_487 = arith.constant 0x7F800000 : f32
    %broadcast_in_dim3A_488 = vector.broadcast %jit3A_487 : f32 to vector<512x1024xf32>
    %select_n3A_489 = arith.select %eq3A_486, %slice3A_471, %broadcast_in_dim3A_488 : vector<512x1024xi1>, vector<512x1024xf32>
    %reduce_min3A_490 = arith.constant dense<0x7F800000> : vector<512xf32>
    %reduce_min3A_491 = vector.multi_reduction <minimumf>, %select_n3A_489, %reduce_min3A_490 [1] : vector<512x1024xf32> to vector<512xf32>
    %broadcast_in_dim3A_492 = vector.shape_cast %reduce_min3A_491 : vector<512xf32> to vector<512x1xf32>
    %convert_element_type3A_493 = arith.truncf %select_n3A_466 : vector<512x1xf32> to vector<512x1xbf16>
    %convert_element_type3A_494 = arith.extf %convert_element_type3A_493 : vector<512x1xbf16> to vector<512x1xf32>
    %lt3A_495 = arith.cmpf olt, %broadcast_in_dim3A_492, %convert_element_type3A_494 : vector<512x1xf32>
    %select_n3A_496 = arith.select %lt3A_495, %broadcast_in_dim3A_492, %select_n3A_466 : vector<512x1xi1>, vector<512x1xf32>
    %add3A_497 = arith.constant 4096 : i32
    %add3A_498 = vector.broadcast %add3A_497 : i32 to vector<512x1xi32>
    %add3A_499 = arith.addi %broadcast_in_dim3A_484, %add3A_498 : vector<512x1xi32>
    %select_n3A_500 = arith.select %lt3A_495, %add3A_499, %select_n3A_470 : vector<512x1xi1>, vector<512x1xi32>
    %le3A_501 = vector.broadcast %add3A_30 : vector<512x1xf32> to vector<512x1024xf32>
    %le3A_502 = arith.cmpf ole, %slice3A_471, %le3A_501 : vector<512x1024xf32>
    %gt3A_503 = vector.broadcast %broadcast_in_dim3A_484 : vector<512x1xi32> to vector<512x1024xi32>
    %gt3A_504 = arith.cmpi sgt, %iota3A, %gt3A_503 : vector<512x1024xi32>
    %and3A_505 = arith.andi %le3A_502, %gt3A_504 : vector<512x1024xi1>
    %jit3A_506 = arith.constant 1024 : i32
    %broadcast_in_dim3A_507 = vector.broadcast %jit3A_506 : i32 to vector<512x1024xi32>
    %select_n3A_508 = arith.select %and3A_505, %iota3A, %broadcast_in_dim3A_507 : vector<512x1024xi1>, vector<512x1024xi32>
    %reduce_min3A_509 = arith.constant dense<2147483647> : vector<512xi32>
    %reduce_min3A_510 = vector.multi_reduction <minsi>, %select_n3A_508, %reduce_min3A_509 [1] : vector<512x1024xi32> to vector<512xi32>
    %broadcast_in_dim3A_511 = vector.shape_cast %reduce_min3A_510 : vector<512xi32> to vector<512x1xi32>
    %eq3A_512 = vector.broadcast %broadcast_in_dim3A_511 : vector<512x1xi32> to vector<512x1024xi32>
    %eq3A_513 = arith.cmpi eq, %iota3A, %eq3A_512 : vector<512x1024xi32>
    %jit3A_514 = arith.constant 0x7F800000 : f32
    %broadcast_in_dim3A_515 = vector.broadcast %jit3A_514 : f32 to vector<512x1024xf32>
    %select_n3A_516 = arith.select %eq3A_513, %slice3A_471, %broadcast_in_dim3A_515 : vector<512x1024xi1>, vector<512x1024xf32>
    %reduce_min3A_517 = arith.constant dense<0x7F800000> : vector<512xf32>
    %reduce_min3A_518 = vector.multi_reduction <minimumf>, %select_n3A_516, %reduce_min3A_517 [1] : vector<512x1024xf32> to vector<512xf32>
    %broadcast_in_dim3A_519 = vector.shape_cast %reduce_min3A_518 : vector<512xf32> to vector<512x1xf32>
    %convert_element_type3A_520 = arith.truncf %select_n3A_496 : vector<512x1xf32> to vector<512x1xbf16>
    %convert_element_type3A_521 = arith.extf %convert_element_type3A_520 : vector<512x1xbf16> to vector<512x1xf32>
    %lt3A_522 = arith.cmpf olt, %broadcast_in_dim3A_519, %convert_element_type3A_521 : vector<512x1xf32>
    %select_n3A_523 = arith.select %lt3A_522, %broadcast_in_dim3A_519, %select_n3A_496 : vector<512x1xi1>, vector<512x1xf32>
    %add3A_524 = arith.constant 4096 : i32
    %add3A_525 = vector.broadcast %add3A_524 : i32 to vector<512x1xi32>
    %add3A_526 = arith.addi %broadcast_in_dim3A_511, %add3A_525 : vector<512x1xi32>
    %select_n3A_527 = arith.select %lt3A_522, %add3A_526, %select_n3A_500 : vector<512x1xi1>, vector<512x1xi32>
    %le3A_528 = vector.broadcast %add3A_30 : vector<512x1xf32> to vector<512x1024xf32>
    %le3A_529 = arith.cmpf ole, %slice3A_471, %le3A_528 : vector<512x1024xf32>
    %gt3A_530 = vector.broadcast %broadcast_in_dim3A_511 : vector<512x1xi32> to vector<512x1024xi32>
    %gt3A_531 = arith.cmpi sgt, %iota3A, %gt3A_530 : vector<512x1024xi32>
    %and3A_532 = arith.andi %le3A_529, %gt3A_531 : vector<512x1024xi1>
    %jit3A_533 = arith.constant 1024 : i32
    %broadcast_in_dim3A_534 = vector.broadcast %jit3A_533 : i32 to vector<512x1024xi32>
    %select_n3A_535 = arith.select %and3A_532, %iota3A, %broadcast_in_dim3A_534 : vector<512x1024xi1>, vector<512x1024xi32>
    %reduce_min3A_536 = arith.constant dense<2147483647> : vector<512xi32>
    %reduce_min3A_537 = vector.multi_reduction <minsi>, %select_n3A_535, %reduce_min3A_536 [1] : vector<512x1024xi32> to vector<512xi32>
    %broadcast_in_dim3A_538 = vector.shape_cast %reduce_min3A_537 : vector<512xi32> to vector<512x1xi32>
    %eq3A_539 = vector.broadcast %broadcast_in_dim3A_538 : vector<512x1xi32> to vector<512x1024xi32>
    %eq3A_540 = arith.cmpi eq, %iota3A, %eq3A_539 : vector<512x1024xi32>
    %jit3A_541 = arith.constant 0x7F800000 : f32
    %broadcast_in_dim3A_542 = vector.broadcast %jit3A_541 : f32 to vector<512x1024xf32>
    %select_n3A_543 = arith.select %eq3A_540, %slice3A_471, %broadcast_in_dim3A_542 : vector<512x1024xi1>, vector<512x1024xf32>
    %reduce_min3A_544 = arith.constant dense<0x7F800000> : vector<512xf32>
    %reduce_min3A_545 = vector.multi_reduction <minimumf>, %select_n3A_543, %reduce_min3A_544 [1] : vector<512x1024xf32> to vector<512xf32>
    %broadcast_in_dim3A_546 = vector.shape_cast %reduce_min3A_545 : vector<512xf32> to vector<512x1xf32>
    %convert_element_type3A_547 = arith.truncf %select_n3A_523 : vector<512x1xf32> to vector<512x1xbf16>
    %convert_element_type3A_548 = arith.extf %convert_element_type3A_547 : vector<512x1xbf16> to vector<512x1xf32>
    %lt3A_549 = arith.cmpf olt, %broadcast_in_dim3A_546, %convert_element_type3A_548 : vector<512x1xf32>
    %select_n3A_550 = arith.select %lt3A_549, %broadcast_in_dim3A_546, %select_n3A_523 : vector<512x1xi1>, vector<512x1xf32>
    %add3A_551 = arith.constant 4096 : i32
    %add3A_552 = vector.broadcast %add3A_551 : i32 to vector<512x1xi32>
    %add3A_553 = arith.addi %broadcast_in_dim3A_538, %add3A_552 : vector<512x1xi32>
    %select_n3A_554 = arith.select %lt3A_549, %add3A_553, %select_n3A_527 : vector<512x1xi1>, vector<512x1xi32>
    %le3A_555 = vector.broadcast %add3A_30 : vector<512x1xf32> to vector<512x1024xf32>
    %le3A_556 = arith.cmpf ole, %slice3A_471, %le3A_555 : vector<512x1024xf32>
    %gt3A_557 = vector.broadcast %broadcast_in_dim3A_538 : vector<512x1xi32> to vector<512x1024xi32>
    %gt3A_558 = arith.cmpi sgt, %iota3A, %gt3A_557 : vector<512x1024xi32>
    %and3A_559 = arith.andi %le3A_556, %gt3A_558 : vector<512x1024xi1>
    %jit3A_560 = arith.constant 1024 : i32
    %broadcast_in_dim3A_561 = vector.broadcast %jit3A_560 : i32 to vector<512x1024xi32>
    %select_n3A_562 = arith.select %and3A_559, %iota3A, %broadcast_in_dim3A_561 : vector<512x1024xi1>, vector<512x1024xi32>
    %reduce_min3A_563 = arith.constant dense<2147483647> : vector<512xi32>
    %reduce_min3A_564 = vector.multi_reduction <minsi>, %select_n3A_562, %reduce_min3A_563 [1] : vector<512x1024xi32> to vector<512xi32>
    %broadcast_in_dim3A_565 = vector.shape_cast %reduce_min3A_564 : vector<512xi32> to vector<512x1xi32>
    %eq3A_566 = vector.broadcast %broadcast_in_dim3A_565 : vector<512x1xi32> to vector<512x1024xi32>
    %eq3A_567 = arith.cmpi eq, %iota3A, %eq3A_566 : vector<512x1024xi32>
    %jit3A_568 = arith.constant 0x7F800000 : f32
    %broadcast_in_dim3A_569 = vector.broadcast %jit3A_568 : f32 to vector<512x1024xf32>
    %select_n3A_570 = arith.select %eq3A_567, %slice3A_471, %broadcast_in_dim3A_569 : vector<512x1024xi1>, vector<512x1024xf32>
    %reduce_min3A_571 = arith.constant dense<0x7F800000> : vector<512xf32>
    %reduce_min3A_572 = vector.multi_reduction <minimumf>, %select_n3A_570, %reduce_min3A_571 [1] : vector<512x1024xf32> to vector<512xf32>
    %broadcast_in_dim3A_573 = vector.shape_cast %reduce_min3A_572 : vector<512xf32> to vector<512x1xf32>
    %convert_element_type3A_574 = arith.truncf %select_n3A_550 : vector<512x1xf32> to vector<512x1xbf16>
    %convert_element_type3A_575 = arith.extf %convert_element_type3A_574 : vector<512x1xbf16> to vector<512x1xf32>
    %lt3A_576 = arith.cmpf olt, %broadcast_in_dim3A_573, %convert_element_type3A_575 : vector<512x1xf32>
    %select_n3A_577 = arith.select %lt3A_576, %broadcast_in_dim3A_573, %select_n3A_550 : vector<512x1xi1>, vector<512x1xf32>
    %add3A_578 = arith.constant 4096 : i32
    %add3A_579 = vector.broadcast %add3A_578 : i32 to vector<512x1xi32>
    %add3A_580 = arith.addi %broadcast_in_dim3A_565, %add3A_579 : vector<512x1xi32>
    %select_n3A_581 = arith.select %lt3A_576, %add3A_580, %select_n3A_554 : vector<512x1xi1>, vector<512x1xi32>
    %slice3A_582 = vector.extract_strided_slice %add3A_15 {offsets = [0, 5120], sizes = [512, 1024], strides = [1, 1]} : vector<512x8192xf32> to vector<512x1024xf32>
    %broadcast_in_dim3A_583 = arith.constant -1 : i32
    %broadcast_in_dim3A_584 = vector.broadcast %broadcast_in_dim3A_583 : i32 to vector<512x1xi32>
    %le3A_585 = vector.broadcast %add3A_30 : vector<512x1xf32> to vector<512x1024xf32>
    %le3A_586 = arith.cmpf ole, %slice3A_582, %le3A_585 : vector<512x1024xf32>
    %gt3A_587 = vector.broadcast %broadcast_in_dim3A_584 : vector<512x1xi32> to vector<512x1024xi32>
    %gt3A_588 = arith.cmpi sgt, %iota3A, %gt3A_587 : vector<512x1024xi32>
    %and3A_589 = arith.andi %le3A_586, %gt3A_588 : vector<512x1024xi1>
    %jit3A_590 = arith.constant 1024 : i32
    %broadcast_in_dim3A_591 = vector.broadcast %jit3A_590 : i32 to vector<512x1024xi32>
    %select_n3A_592 = arith.select %and3A_589, %iota3A, %broadcast_in_dim3A_591 : vector<512x1024xi1>, vector<512x1024xi32>
    %reduce_min3A_593 = arith.constant dense<2147483647> : vector<512xi32>
    %reduce_min3A_594 = vector.multi_reduction <minsi>, %select_n3A_592, %reduce_min3A_593 [1] : vector<512x1024xi32> to vector<512xi32>
    %broadcast_in_dim3A_595 = vector.shape_cast %reduce_min3A_594 : vector<512xi32> to vector<512x1xi32>
    %eq3A_596 = vector.broadcast %broadcast_in_dim3A_595 : vector<512x1xi32> to vector<512x1024xi32>
    %eq3A_597 = arith.cmpi eq, %iota3A, %eq3A_596 : vector<512x1024xi32>
    %jit3A_598 = arith.constant 0x7F800000 : f32
    %broadcast_in_dim3A_599 = vector.broadcast %jit3A_598 : f32 to vector<512x1024xf32>
    %select_n3A_600 = arith.select %eq3A_597, %slice3A_582, %broadcast_in_dim3A_599 : vector<512x1024xi1>, vector<512x1024xf32>
    %reduce_min3A_601 = arith.constant dense<0x7F800000> : vector<512xf32>
    %reduce_min3A_602 = vector.multi_reduction <minimumf>, %select_n3A_600, %reduce_min3A_601 [1] : vector<512x1024xf32> to vector<512xf32>
    %broadcast_in_dim3A_603 = vector.shape_cast %reduce_min3A_602 : vector<512xf32> to vector<512x1xf32>
    %convert_element_type3A_604 = arith.truncf %select_n3A_577 : vector<512x1xf32> to vector<512x1xbf16>
    %convert_element_type3A_605 = arith.extf %convert_element_type3A_604 : vector<512x1xbf16> to vector<512x1xf32>
    %lt3A_606 = arith.cmpf olt, %broadcast_in_dim3A_603, %convert_element_type3A_605 : vector<512x1xf32>
    %select_n3A_607 = arith.select %lt3A_606, %broadcast_in_dim3A_603, %select_n3A_577 : vector<512x1xi1>, vector<512x1xf32>
    %add3A_608 = arith.constant 5120 : i32
    %add3A_609 = vector.broadcast %add3A_608 : i32 to vector<512x1xi32>
    %add3A_610 = arith.addi %broadcast_in_dim3A_595, %add3A_609 : vector<512x1xi32>
    %select_n3A_611 = arith.select %lt3A_606, %add3A_610, %select_n3A_581 : vector<512x1xi1>, vector<512x1xi32>
    %le3A_612 = vector.broadcast %add3A_30 : vector<512x1xf32> to vector<512x1024xf32>
    %le3A_613 = arith.cmpf ole, %slice3A_582, %le3A_612 : vector<512x1024xf32>
    %gt3A_614 = vector.broadcast %broadcast_in_dim3A_595 : vector<512x1xi32> to vector<512x1024xi32>
    %gt3A_615 = arith.cmpi sgt, %iota3A, %gt3A_614 : vector<512x1024xi32>
    %and3A_616 = arith.andi %le3A_613, %gt3A_615 : vector<512x1024xi1>
    %jit3A_617 = arith.constant 1024 : i32
    %broadcast_in_dim3A_618 = vector.broadcast %jit3A_617 : i32 to vector<512x1024xi32>
    %select_n3A_619 = arith.select %and3A_616, %iota3A, %broadcast_in_dim3A_618 : vector<512x1024xi1>, vector<512x1024xi32>
    %reduce_min3A_620 = arith.constant dense<2147483647> : vector<512xi32>
    %reduce_min3A_621 = vector.multi_reduction <minsi>, %select_n3A_619, %reduce_min3A_620 [1] : vector<512x1024xi32> to vector<512xi32>
    %broadcast_in_dim3A_622 = vector.shape_cast %reduce_min3A_621 : vector<512xi32> to vector<512x1xi32>
    %eq3A_623 = vector.broadcast %broadcast_in_dim3A_622 : vector<512x1xi32> to vector<512x1024xi32>
    %eq3A_624 = arith.cmpi eq, %iota3A, %eq3A_623 : vector<512x1024xi32>
    %jit3A_625 = arith.constant 0x7F800000 : f32
    %broadcast_in_dim3A_626 = vector.broadcast %jit3A_625 : f32 to vector<512x1024xf32>
    %select_n3A_627 = arith.select %eq3A_624, %slice3A_582, %broadcast_in_dim3A_626 : vector<512x1024xi1>, vector<512x1024xf32>
    %reduce_min3A_628 = arith.constant dense<0x7F800000> : vector<512xf32>
    %reduce_min3A_629 = vector.multi_reduction <minimumf>, %select_n3A_627, %reduce_min3A_628 [1] : vector<512x1024xf32> to vector<512xf32>
    %broadcast_in_dim3A_630 = vector.shape_cast %reduce_min3A_629 : vector<512xf32> to vector<512x1xf32>
    %convert_element_type3A_631 = arith.truncf %select_n3A_607 : vector<512x1xf32> to vector<512x1xbf16>
    %convert_element_type3A_632 = arith.extf %convert_element_type3A_631 : vector<512x1xbf16> to vector<512x1xf32>
    %lt3A_633 = arith.cmpf olt, %broadcast_in_dim3A_630, %convert_element_type3A_632 : vector<512x1xf32>
    %select_n3A_634 = arith.select %lt3A_633, %broadcast_in_dim3A_630, %select_n3A_607 : vector<512x1xi1>, vector<512x1xf32>
    %add3A_635 = arith.constant 5120 : i32
    %add3A_636 = vector.broadcast %add3A_635 : i32 to vector<512x1xi32>
    %add3A_637 = arith.addi %broadcast_in_dim3A_622, %add3A_636 : vector<512x1xi32>
    %select_n3A_638 = arith.select %lt3A_633, %add3A_637, %select_n3A_611 : vector<512x1xi1>, vector<512x1xi32>
    %le3A_639 = vector.broadcast %add3A_30 : vector<512x1xf32> to vector<512x1024xf32>
    %le3A_640 = arith.cmpf ole, %slice3A_582, %le3A_639 : vector<512x1024xf32>
    %gt3A_641 = vector.broadcast %broadcast_in_dim3A_622 : vector<512x1xi32> to vector<512x1024xi32>
    %gt3A_642 = arith.cmpi sgt, %iota3A, %gt3A_641 : vector<512x1024xi32>
    %and3A_643 = arith.andi %le3A_640, %gt3A_642 : vector<512x1024xi1>
    %jit3A_644 = arith.constant 1024 : i32
    %broadcast_in_dim3A_645 = vector.broadcast %jit3A_644 : i32 to vector<512x1024xi32>
    %select_n3A_646 = arith.select %and3A_643, %iota3A, %broadcast_in_dim3A_645 : vector<512x1024xi1>, vector<512x1024xi32>
    %reduce_min3A_647 = arith.constant dense<2147483647> : vector<512xi32>
    %reduce_min3A_648 = vector.multi_reduction <minsi>, %select_n3A_646, %reduce_min3A_647 [1] : vector<512x1024xi32> to vector<512xi32>
    %broadcast_in_dim3A_649 = vector.shape_cast %reduce_min3A_648 : vector<512xi32> to vector<512x1xi32>
    %eq3A_650 = vector.broadcast %broadcast_in_dim3A_649 : vector<512x1xi32> to vector<512x1024xi32>
    %eq3A_651 = arith.cmpi eq, %iota3A, %eq3A_650 : vector<512x1024xi32>
    %jit3A_652 = arith.constant 0x7F800000 : f32
    %broadcast_in_dim3A_653 = vector.broadcast %jit3A_652 : f32 to vector<512x1024xf32>
    %select_n3A_654 = arith.select %eq3A_651, %slice3A_582, %broadcast_in_dim3A_653 : vector<512x1024xi1>, vector<512x1024xf32>
    %reduce_min3A_655 = arith.constant dense<0x7F800000> : vector<512xf32>
    %reduce_min3A_656 = vector.multi_reduction <minimumf>, %select_n3A_654, %reduce_min3A_655 [1] : vector<512x1024xf32> to vector<512xf32>
    %broadcast_in_dim3A_657 = vector.shape_cast %reduce_min3A_656 : vector<512xf32> to vector<512x1xf32>
    %convert_element_type3A_658 = arith.truncf %select_n3A_634 : vector<512x1xf32> to vector<512x1xbf16>
    %convert_element_type3A_659 = arith.extf %convert_element_type3A_658 : vector<512x1xbf16> to vector<512x1xf32>
    %lt3A_660 = arith.cmpf olt, %broadcast_in_dim3A_657, %convert_element_type3A_659 : vector<512x1xf32>
    %select_n3A_661 = arith.select %lt3A_660, %broadcast_in_dim3A_657, %select_n3A_634 : vector<512x1xi1>, vector<512x1xf32>
    %add3A_662 = arith.constant 5120 : i32
    %add3A_663 = vector.broadcast %add3A_662 : i32 to vector<512x1xi32>
    %add3A_664 = arith.addi %broadcast_in_dim3A_649, %add3A_663 : vector<512x1xi32>
    %select_n3A_665 = arith.select %lt3A_660, %add3A_664, %select_n3A_638 : vector<512x1xi1>, vector<512x1xi32>
    %le3A_666 = vector.broadcast %add3A_30 : vector<512x1xf32> to vector<512x1024xf32>
    %le3A_667 = arith.cmpf ole, %slice3A_582, %le3A_666 : vector<512x1024xf32>
    %gt3A_668 = vector.broadcast %broadcast_in_dim3A_649 : vector<512x1xi32> to vector<512x1024xi32>
    %gt3A_669 = arith.cmpi sgt, %iota3A, %gt3A_668 : vector<512x1024xi32>
    %and3A_670 = arith.andi %le3A_667, %gt3A_669 : vector<512x1024xi1>
    %jit3A_671 = arith.constant 1024 : i32
    %broadcast_in_dim3A_672 = vector.broadcast %jit3A_671 : i32 to vector<512x1024xi32>
    %select_n3A_673 = arith.select %and3A_670, %iota3A, %broadcast_in_dim3A_672 : vector<512x1024xi1>, vector<512x1024xi32>
    %reduce_min3A_674 = arith.constant dense<2147483647> : vector<512xi32>
    %reduce_min3A_675 = vector.multi_reduction <minsi>, %select_n3A_673, %reduce_min3A_674 [1] : vector<512x1024xi32> to vector<512xi32>
    %broadcast_in_dim3A_676 = vector.shape_cast %reduce_min3A_675 : vector<512xi32> to vector<512x1xi32>
    %eq3A_677 = vector.broadcast %broadcast_in_dim3A_676 : vector<512x1xi32> to vector<512x1024xi32>
    %eq3A_678 = arith.cmpi eq, %iota3A, %eq3A_677 : vector<512x1024xi32>
    %jit3A_679 = arith.constant 0x7F800000 : f32
    %broadcast_in_dim3A_680 = vector.broadcast %jit3A_679 : f32 to vector<512x1024xf32>
    %select_n3A_681 = arith.select %eq3A_678, %slice3A_582, %broadcast_in_dim3A_680 : vector<512x1024xi1>, vector<512x1024xf32>
    %reduce_min3A_682 = arith.constant dense<0x7F800000> : vector<512xf32>
    %reduce_min3A_683 = vector.multi_reduction <minimumf>, %select_n3A_681, %reduce_min3A_682 [1] : vector<512x1024xf32> to vector<512xf32>
    %broadcast_in_dim3A_684 = vector.shape_cast %reduce_min3A_683 : vector<512xf32> to vector<512x1xf32>
    %convert_element_type3A_685 = arith.truncf %select_n3A_661 : vector<512x1xf32> to vector<512x1xbf16>
    %convert_element_type3A_686 = arith.extf %convert_element_type3A_685 : vector<512x1xbf16> to vector<512x1xf32>
    %lt3A_687 = arith.cmpf olt, %broadcast_in_dim3A_684, %convert_element_type3A_686 : vector<512x1xf32>
    %select_n3A_688 = arith.select %lt3A_687, %broadcast_in_dim3A_684, %select_n3A_661 : vector<512x1xi1>, vector<512x1xf32>
    %add3A_689 = arith.constant 5120 : i32
    %add3A_690 = vector.broadcast %add3A_689 : i32 to vector<512x1xi32>
    %add3A_691 = arith.addi %broadcast_in_dim3A_676, %add3A_690 : vector<512x1xi32>
    %select_n3A_692 = arith.select %lt3A_687, %add3A_691, %select_n3A_665 : vector<512x1xi1>, vector<512x1xi32>
    %slice3A_693 = vector.extract_strided_slice %add3A_15 {offsets = [0, 6144], sizes = [512, 1024], strides = [1, 1]} : vector<512x8192xf32> to vector<512x1024xf32>
    %broadcast_in_dim3A_694 = arith.constant -1 : i32
    %broadcast_in_dim3A_695 = vector.broadcast %broadcast_in_dim3A_694 : i32 to vector<512x1xi32>
    %le3A_696 = vector.broadcast %add3A_30 : vector<512x1xf32> to vector<512x1024xf32>
    %le3A_697 = arith.cmpf ole, %slice3A_693, %le3A_696 : vector<512x1024xf32>
    %gt3A_698 = vector.broadcast %broadcast_in_dim3A_695 : vector<512x1xi32> to vector<512x1024xi32>
    %gt3A_699 = arith.cmpi sgt, %iota3A, %gt3A_698 : vector<512x1024xi32>
    %and3A_700 = arith.andi %le3A_697, %gt3A_699 : vector<512x1024xi1>
    %jit3A_701 = arith.constant 1024 : i32
    %broadcast_in_dim3A_702 = vector.broadcast %jit3A_701 : i32 to vector<512x1024xi32>
    %select_n3A_703 = arith.select %and3A_700, %iota3A, %broadcast_in_dim3A_702 : vector<512x1024xi1>, vector<512x1024xi32>
    %reduce_min3A_704 = arith.constant dense<2147483647> : vector<512xi32>
    %reduce_min3A_705 = vector.multi_reduction <minsi>, %select_n3A_703, %reduce_min3A_704 [1] : vector<512x1024xi32> to vector<512xi32>
    %broadcast_in_dim3A_706 = vector.shape_cast %reduce_min3A_705 : vector<512xi32> to vector<512x1xi32>
    %eq3A_707 = vector.broadcast %broadcast_in_dim3A_706 : vector<512x1xi32> to vector<512x1024xi32>
    %eq3A_708 = arith.cmpi eq, %iota3A, %eq3A_707 : vector<512x1024xi32>
    %jit3A_709 = arith.constant 0x7F800000 : f32
    %broadcast_in_dim3A_710 = vector.broadcast %jit3A_709 : f32 to vector<512x1024xf32>
    %select_n3A_711 = arith.select %eq3A_708, %slice3A_693, %broadcast_in_dim3A_710 : vector<512x1024xi1>, vector<512x1024xf32>
    %reduce_min3A_712 = arith.constant dense<0x7F800000> : vector<512xf32>
    %reduce_min3A_713 = vector.multi_reduction <minimumf>, %select_n3A_711, %reduce_min3A_712 [1] : vector<512x1024xf32> to vector<512xf32>
    %broadcast_in_dim3A_714 = vector.shape_cast %reduce_min3A_713 : vector<512xf32> to vector<512x1xf32>
    %convert_element_type3A_715 = arith.truncf %select_n3A_688 : vector<512x1xf32> to vector<512x1xbf16>
    %convert_element_type3A_716 = arith.extf %convert_element_type3A_715 : vector<512x1xbf16> to vector<512x1xf32>
    %lt3A_717 = arith.cmpf olt, %broadcast_in_dim3A_714, %convert_element_type3A_716 : vector<512x1xf32>
    %select_n3A_718 = arith.select %lt3A_717, %broadcast_in_dim3A_714, %select_n3A_688 : vector<512x1xi1>, vector<512x1xf32>
    %add3A_719 = arith.constant 6144 : i32
    %add3A_720 = vector.broadcast %add3A_719 : i32 to vector<512x1xi32>
    %add3A_721 = arith.addi %broadcast_in_dim3A_706, %add3A_720 : vector<512x1xi32>
    %select_n3A_722 = arith.select %lt3A_717, %add3A_721, %select_n3A_692 : vector<512x1xi1>, vector<512x1xi32>
    %le3A_723 = vector.broadcast %add3A_30 : vector<512x1xf32> to vector<512x1024xf32>
    %le3A_724 = arith.cmpf ole, %slice3A_693, %le3A_723 : vector<512x1024xf32>
    %gt3A_725 = vector.broadcast %broadcast_in_dim3A_706 : vector<512x1xi32> to vector<512x1024xi32>
    %gt3A_726 = arith.cmpi sgt, %iota3A, %gt3A_725 : vector<512x1024xi32>
    %and3A_727 = arith.andi %le3A_724, %gt3A_726 : vector<512x1024xi1>
    %jit3A_728 = arith.constant 1024 : i32
    %broadcast_in_dim3A_729 = vector.broadcast %jit3A_728 : i32 to vector<512x1024xi32>
    %select_n3A_730 = arith.select %and3A_727, %iota3A, %broadcast_in_dim3A_729 : vector<512x1024xi1>, vector<512x1024xi32>
    %reduce_min3A_731 = arith.constant dense<2147483647> : vector<512xi32>
    %reduce_min3A_732 = vector.multi_reduction <minsi>, %select_n3A_730, %reduce_min3A_731 [1] : vector<512x1024xi32> to vector<512xi32>
    %broadcast_in_dim3A_733 = vector.shape_cast %reduce_min3A_732 : vector<512xi32> to vector<512x1xi32>
    %eq3A_734 = vector.broadcast %broadcast_in_dim3A_733 : vector<512x1xi32> to vector<512x1024xi32>
    %eq3A_735 = arith.cmpi eq, %iota3A, %eq3A_734 : vector<512x1024xi32>
    %jit3A_736 = arith.constant 0x7F800000 : f32
    %broadcast_in_dim3A_737 = vector.broadcast %jit3A_736 : f32 to vector<512x1024xf32>
    %select_n3A_738 = arith.select %eq3A_735, %slice3A_693, %broadcast_in_dim3A_737 : vector<512x1024xi1>, vector<512x1024xf32>
    %reduce_min3A_739 = arith.constant dense<0x7F800000> : vector<512xf32>
    %reduce_min3A_740 = vector.multi_reduction <minimumf>, %select_n3A_738, %reduce_min3A_739 [1] : vector<512x1024xf32> to vector<512xf32>
    %broadcast_in_dim3A_741 = vector.shape_cast %reduce_min3A_740 : vector<512xf32> to vector<512x1xf32>
    %convert_element_type3A_742 = arith.truncf %select_n3A_718 : vector<512x1xf32> to vector<512x1xbf16>
    %convert_element_type3A_743 = arith.extf %convert_element_type3A_742 : vector<512x1xbf16> to vector<512x1xf32>
    %lt3A_744 = arith.cmpf olt, %broadcast_in_dim3A_741, %convert_element_type3A_743 : vector<512x1xf32>
    %select_n3A_745 = arith.select %lt3A_744, %broadcast_in_dim3A_741, %select_n3A_718 : vector<512x1xi1>, vector<512x1xf32>
    %add3A_746 = arith.constant 6144 : i32
    %add3A_747 = vector.broadcast %add3A_746 : i32 to vector<512x1xi32>
    %add3A_748 = arith.addi %broadcast_in_dim3A_733, %add3A_747 : vector<512x1xi32>
    %select_n3A_749 = arith.select %lt3A_744, %add3A_748, %select_n3A_722 : vector<512x1xi1>, vector<512x1xi32>
    %le3A_750 = vector.broadcast %add3A_30 : vector<512x1xf32> to vector<512x1024xf32>
    %le3A_751 = arith.cmpf ole, %slice3A_693, %le3A_750 : vector<512x1024xf32>
    %gt3A_752 = vector.broadcast %broadcast_in_dim3A_733 : vector<512x1xi32> to vector<512x1024xi32>
    %gt3A_753 = arith.cmpi sgt, %iota3A, %gt3A_752 : vector<512x1024xi32>
    %and3A_754 = arith.andi %le3A_751, %gt3A_753 : vector<512x1024xi1>
    %jit3A_755 = arith.constant 1024 : i32
    %broadcast_in_dim3A_756 = vector.broadcast %jit3A_755 : i32 to vector<512x1024xi32>
    %select_n3A_757 = arith.select %and3A_754, %iota3A, %broadcast_in_dim3A_756 : vector<512x1024xi1>, vector<512x1024xi32>
    %reduce_min3A_758 = arith.constant dense<2147483647> : vector<512xi32>
    %reduce_min3A_759 = vector.multi_reduction <minsi>, %select_n3A_757, %reduce_min3A_758 [1] : vector<512x1024xi32> to vector<512xi32>
    %broadcast_in_dim3A_760 = vector.shape_cast %reduce_min3A_759 : vector<512xi32> to vector<512x1xi32>
    %eq3A_761 = vector.broadcast %broadcast_in_dim3A_760 : vector<512x1xi32> to vector<512x1024xi32>
    %eq3A_762 = arith.cmpi eq, %iota3A, %eq3A_761 : vector<512x1024xi32>
    %jit3A_763 = arith.constant 0x7F800000 : f32
    %broadcast_in_dim3A_764 = vector.broadcast %jit3A_763 : f32 to vector<512x1024xf32>
    %select_n3A_765 = arith.select %eq3A_762, %slice3A_693, %broadcast_in_dim3A_764 : vector<512x1024xi1>, vector<512x1024xf32>
    %reduce_min3A_766 = arith.constant dense<0x7F800000> : vector<512xf32>
    %reduce_min3A_767 = vector.multi_reduction <minimumf>, %select_n3A_765, %reduce_min3A_766 [1] : vector<512x1024xf32> to vector<512xf32>
    %broadcast_in_dim3A_768 = vector.shape_cast %reduce_min3A_767 : vector<512xf32> to vector<512x1xf32>
    %convert_element_type3A_769 = arith.truncf %select_n3A_745 : vector<512x1xf32> to vector<512x1xbf16>
    %convert_element_type3A_770 = arith.extf %convert_element_type3A_769 : vector<512x1xbf16> to vector<512x1xf32>
    %lt3A_771 = arith.cmpf olt, %broadcast_in_dim3A_768, %convert_element_type3A_770 : vector<512x1xf32>
    %select_n3A_772 = arith.select %lt3A_771, %broadcast_in_dim3A_768, %select_n3A_745 : vector<512x1xi1>, vector<512x1xf32>
    %add3A_773 = arith.constant 6144 : i32
    %add3A_774 = vector.broadcast %add3A_773 : i32 to vector<512x1xi32>
    %add3A_775 = arith.addi %broadcast_in_dim3A_760, %add3A_774 : vector<512x1xi32>
    %select_n3A_776 = arith.select %lt3A_771, %add3A_775, %select_n3A_749 : vector<512x1xi1>, vector<512x1xi32>
    %le3A_777 = vector.broadcast %add3A_30 : vector<512x1xf32> to vector<512x1024xf32>
    %le3A_778 = arith.cmpf ole, %slice3A_693, %le3A_777 : vector<512x1024xf32>
    %gt3A_779 = vector.broadcast %broadcast_in_dim3A_760 : vector<512x1xi32> to vector<512x1024xi32>
    %gt3A_780 = arith.cmpi sgt, %iota3A, %gt3A_779 : vector<512x1024xi32>
    %and3A_781 = arith.andi %le3A_778, %gt3A_780 : vector<512x1024xi1>
    %jit3A_782 = arith.constant 1024 : i32
    %broadcast_in_dim3A_783 = vector.broadcast %jit3A_782 : i32 to vector<512x1024xi32>
    %select_n3A_784 = arith.select %and3A_781, %iota3A, %broadcast_in_dim3A_783 : vector<512x1024xi1>, vector<512x1024xi32>
    %reduce_min3A_785 = arith.constant dense<2147483647> : vector<512xi32>
    %reduce_min3A_786 = vector.multi_reduction <minsi>, %select_n3A_784, %reduce_min3A_785 [1] : vector<512x1024xi32> to vector<512xi32>
    %broadcast_in_dim3A_787 = vector.shape_cast %reduce_min3A_786 : vector<512xi32> to vector<512x1xi32>
    %eq3A_788 = vector.broadcast %broadcast_in_dim3A_787 : vector<512x1xi32> to vector<512x1024xi32>
    %eq3A_789 = arith.cmpi eq, %iota3A, %eq3A_788 : vector<512x1024xi32>
    %jit3A_790 = arith.constant 0x7F800000 : f32
    %broadcast_in_dim3A_791 = vector.broadcast %jit3A_790 : f32 to vector<512x1024xf32>
    %select_n3A_792 = arith.select %eq3A_789, %slice3A_693, %broadcast_in_dim3A_791 : vector<512x1024xi1>, vector<512x1024xf32>
    %reduce_min3A_793 = arith.constant dense<0x7F800000> : vector<512xf32>
    %reduce_min3A_794 = vector.multi_reduction <minimumf>, %select_n3A_792, %reduce_min3A_793 [1] : vector<512x1024xf32> to vector<512xf32>
    %broadcast_in_dim3A_795 = vector.shape_cast %reduce_min3A_794 : vector<512xf32> to vector<512x1xf32>
    %convert_element_type3A_796 = arith.truncf %select_n3A_772 : vector<512x1xf32> to vector<512x1xbf16>
    %convert_element_type3A_797 = arith.extf %convert_element_type3A_796 : vector<512x1xbf16> to vector<512x1xf32>
    %lt3A_798 = arith.cmpf olt, %broadcast_in_dim3A_795, %convert_element_type3A_797 : vector<512x1xf32>
    %select_n3A_799 = arith.select %lt3A_798, %broadcast_in_dim3A_795, %select_n3A_772 : vector<512x1xi1>, vector<512x1xf32>
    %add3A_800 = arith.constant 6144 : i32
    %add3A_801 = vector.broadcast %add3A_800 : i32 to vector<512x1xi32>
    %add3A_802 = arith.addi %broadcast_in_dim3A_787, %add3A_801 : vector<512x1xi32>
    %select_n3A_803 = arith.select %lt3A_798, %add3A_802, %select_n3A_776 : vector<512x1xi1>, vector<512x1xi32>
    %slice3A_804 = vector.extract_strided_slice %add3A_15 {offsets = [0, 7168], sizes = [512, 1024], strides = [1, 1]} : vector<512x8192xf32> to vector<512x1024xf32>
    %broadcast_in_dim3A_805 = arith.constant -1 : i32
    %broadcast_in_dim3A_806 = vector.broadcast %broadcast_in_dim3A_805 : i32 to vector<512x1xi32>
    %le3A_807 = vector.broadcast %add3A_30 : vector<512x1xf32> to vector<512x1024xf32>
    %le3A_808 = arith.cmpf ole, %slice3A_804, %le3A_807 : vector<512x1024xf32>
    %gt3A_809 = vector.broadcast %broadcast_in_dim3A_806 : vector<512x1xi32> to vector<512x1024xi32>
    %gt3A_810 = arith.cmpi sgt, %iota3A, %gt3A_809 : vector<512x1024xi32>
    %and3A_811 = arith.andi %le3A_808, %gt3A_810 : vector<512x1024xi1>
    %jit3A_812 = arith.constant 1024 : i32
    %broadcast_in_dim3A_813 = vector.broadcast %jit3A_812 : i32 to vector<512x1024xi32>
    %select_n3A_814 = arith.select %and3A_811, %iota3A, %broadcast_in_dim3A_813 : vector<512x1024xi1>, vector<512x1024xi32>
    %reduce_min3A_815 = arith.constant dense<2147483647> : vector<512xi32>
    %reduce_min3A_816 = vector.multi_reduction <minsi>, %select_n3A_814, %reduce_min3A_815 [1] : vector<512x1024xi32> to vector<512xi32>
    %broadcast_in_dim3A_817 = vector.shape_cast %reduce_min3A_816 : vector<512xi32> to vector<512x1xi32>
    %eq3A_818 = vector.broadcast %broadcast_in_dim3A_817 : vector<512x1xi32> to vector<512x1024xi32>
    %eq3A_819 = arith.cmpi eq, %iota3A, %eq3A_818 : vector<512x1024xi32>
    %jit3A_820 = arith.constant 0x7F800000 : f32
    %broadcast_in_dim3A_821 = vector.broadcast %jit3A_820 : f32 to vector<512x1024xf32>
    %select_n3A_822 = arith.select %eq3A_819, %slice3A_804, %broadcast_in_dim3A_821 : vector<512x1024xi1>, vector<512x1024xf32>
    %reduce_min3A_823 = arith.constant dense<0x7F800000> : vector<512xf32>
    %reduce_min3A_824 = vector.multi_reduction <minimumf>, %select_n3A_822, %reduce_min3A_823 [1] : vector<512x1024xf32> to vector<512xf32>
    %broadcast_in_dim3A_825 = vector.shape_cast %reduce_min3A_824 : vector<512xf32> to vector<512x1xf32>
    %convert_element_type3A_826 = arith.truncf %select_n3A_799 : vector<512x1xf32> to vector<512x1xbf16>
    %convert_element_type3A_827 = arith.extf %convert_element_type3A_826 : vector<512x1xbf16> to vector<512x1xf32>
    %lt3A_828 = arith.cmpf olt, %broadcast_in_dim3A_825, %convert_element_type3A_827 : vector<512x1xf32>
    %select_n3A_829 = arith.select %lt3A_828, %broadcast_in_dim3A_825, %select_n3A_799 : vector<512x1xi1>, vector<512x1xf32>
    %add3A_830 = arith.constant 7168 : i32
    %add3A_831 = vector.broadcast %add3A_830 : i32 to vector<512x1xi32>
    %add3A_832 = arith.addi %broadcast_in_dim3A_817, %add3A_831 : vector<512x1xi32>
    %select_n3A_833 = arith.select %lt3A_828, %add3A_832, %select_n3A_803 : vector<512x1xi1>, vector<512x1xi32>
    %le3A_834 = vector.broadcast %add3A_30 : vector<512x1xf32> to vector<512x1024xf32>
    %le3A_835 = arith.cmpf ole, %slice3A_804, %le3A_834 : vector<512x1024xf32>
    %gt3A_836 = vector.broadcast %broadcast_in_dim3A_817 : vector<512x1xi32> to vector<512x1024xi32>
    %gt3A_837 = arith.cmpi sgt, %iota3A, %gt3A_836 : vector<512x1024xi32>
    %and3A_838 = arith.andi %le3A_835, %gt3A_837 : vector<512x1024xi1>
    %jit3A_839 = arith.constant 1024 : i32
    %broadcast_in_dim3A_840 = vector.broadcast %jit3A_839 : i32 to vector<512x1024xi32>
    %select_n3A_841 = arith.select %and3A_838, %iota3A, %broadcast_in_dim3A_840 : vector<512x1024xi1>, vector<512x1024xi32>
    %reduce_min3A_842 = arith.constant dense<2147483647> : vector<512xi32>
    %reduce_min3A_843 = vector.multi_reduction <minsi>, %select_n3A_841, %reduce_min3A_842 [1] : vector<512x1024xi32> to vector<512xi32>
    %broadcast_in_dim3A_844 = vector.shape_cast %reduce_min3A_843 : vector<512xi32> to vector<512x1xi32>
    %eq3A_845 = vector.broadcast %broadcast_in_dim3A_844 : vector<512x1xi32> to vector<512x1024xi32>
    %eq3A_846 = arith.cmpi eq, %iota3A, %eq3A_845 : vector<512x1024xi32>
    %jit3A_847 = arith.constant 0x7F800000 : f32
    %broadcast_in_dim3A_848 = vector.broadcast %jit3A_847 : f32 to vector<512x1024xf32>
    %select_n3A_849 = arith.select %eq3A_846, %slice3A_804, %broadcast_in_dim3A_848 : vector<512x1024xi1>, vector<512x1024xf32>
    %reduce_min3A_850 = arith.constant dense<0x7F800000> : vector<512xf32>
    %reduce_min3A_851 = vector.multi_reduction <minimumf>, %select_n3A_849, %reduce_min3A_850 [1] : vector<512x1024xf32> to vector<512xf32>
    %broadcast_in_dim3A_852 = vector.shape_cast %reduce_min3A_851 : vector<512xf32> to vector<512x1xf32>
    %convert_element_type3A_853 = arith.truncf %select_n3A_829 : vector<512x1xf32> to vector<512x1xbf16>
    %convert_element_type3A_854 = arith.extf %convert_element_type3A_853 : vector<512x1xbf16> to vector<512x1xf32>
    %lt3A_855 = arith.cmpf olt, %broadcast_in_dim3A_852, %convert_element_type3A_854 : vector<512x1xf32>
    %select_n3A_856 = arith.select %lt3A_855, %broadcast_in_dim3A_852, %select_n3A_829 : vector<512x1xi1>, vector<512x1xf32>
    %add3A_857 = arith.constant 7168 : i32
    %add3A_858 = vector.broadcast %add3A_857 : i32 to vector<512x1xi32>
    %add3A_859 = arith.addi %broadcast_in_dim3A_844, %add3A_858 : vector<512x1xi32>
    %select_n3A_860 = arith.select %lt3A_855, %add3A_859, %select_n3A_833 : vector<512x1xi1>, vector<512x1xi32>
    %le3A_861 = vector.broadcast %add3A_30 : vector<512x1xf32> to vector<512x1024xf32>
    %le3A_862 = arith.cmpf ole, %slice3A_804, %le3A_861 : vector<512x1024xf32>
    %gt3A_863 = vector.broadcast %broadcast_in_dim3A_844 : vector<512x1xi32> to vector<512x1024xi32>
    %gt3A_864 = arith.cmpi sgt, %iota3A, %gt3A_863 : vector<512x1024xi32>
    %and3A_865 = arith.andi %le3A_862, %gt3A_864 : vector<512x1024xi1>
    %jit3A_866 = arith.constant 1024 : i32
    %broadcast_in_dim3A_867 = vector.broadcast %jit3A_866 : i32 to vector<512x1024xi32>
    %select_n3A_868 = arith.select %and3A_865, %iota3A, %broadcast_in_dim3A_867 : vector<512x1024xi1>, vector<512x1024xi32>
    %reduce_min3A_869 = arith.constant dense<2147483647> : vector<512xi32>
    %reduce_min3A_870 = vector.multi_reduction <minsi>, %select_n3A_868, %reduce_min3A_869 [1] : vector<512x1024xi32> to vector<512xi32>
    %broadcast_in_dim3A_871 = vector.shape_cast %reduce_min3A_870 : vector<512xi32> to vector<512x1xi32>
    %eq3A_872 = vector.broadcast %broadcast_in_dim3A_871 : vector<512x1xi32> to vector<512x1024xi32>
    %eq3A_873 = arith.cmpi eq, %iota3A, %eq3A_872 : vector<512x1024xi32>
    %jit3A_874 = arith.constant 0x7F800000 : f32
    %broadcast_in_dim3A_875 = vector.broadcast %jit3A_874 : f32 to vector<512x1024xf32>
    %select_n3A_876 = arith.select %eq3A_873, %slice3A_804, %broadcast_in_dim3A_875 : vector<512x1024xi1>, vector<512x1024xf32>
    %reduce_min3A_877 = arith.constant dense<0x7F800000> : vector<512xf32>
    %reduce_min3A_878 = vector.multi_reduction <minimumf>, %select_n3A_876, %reduce_min3A_877 [1] : vector<512x1024xf32> to vector<512xf32>
    %broadcast_in_dim3A_879 = vector.shape_cast %reduce_min3A_878 : vector<512xf32> to vector<512x1xf32>
    %convert_element_type3A_880 = arith.truncf %select_n3A_856 : vector<512x1xf32> to vector<512x1xbf16>
    %convert_element_type3A_881 = arith.extf %convert_element_type3A_880 : vector<512x1xbf16> to vector<512x1xf32>
    %lt3A_882 = arith.cmpf olt, %broadcast_in_dim3A_879, %convert_element_type3A_881 : vector<512x1xf32>
    %select_n3A_883 = arith.select %lt3A_882, %broadcast_in_dim3A_879, %select_n3A_856 : vector<512x1xi1>, vector<512x1xf32>
    %add3A_884 = arith.constant 7168 : i32
    %add3A_885 = vector.broadcast %add3A_884 : i32 to vector<512x1xi32>
    %add3A_886 = arith.addi %broadcast_in_dim3A_871, %add3A_885 : vector<512x1xi32>
    %select_n3A_887 = arith.select %lt3A_882, %add3A_886, %select_n3A_860 : vector<512x1xi1>, vector<512x1xi32>
    %le3A_888 = vector.broadcast %add3A_30 : vector<512x1xf32> to vector<512x1024xf32>
    %le3A_889 = arith.cmpf ole, %slice3A_804, %le3A_888 : vector<512x1024xf32>
    %gt3A_890 = vector.broadcast %broadcast_in_dim3A_871 : vector<512x1xi32> to vector<512x1024xi32>
    %gt3A_891 = arith.cmpi sgt, %iota3A, %gt3A_890 : vector<512x1024xi32>
    %and3A_892 = arith.andi %le3A_889, %gt3A_891 : vector<512x1024xi1>
    %jit3A_893 = arith.constant 1024 : i32
    %broadcast_in_dim3A_894 = vector.broadcast %jit3A_893 : i32 to vector<512x1024xi32>
    %select_n3A_895 = arith.select %and3A_892, %iota3A, %broadcast_in_dim3A_894 : vector<512x1024xi1>, vector<512x1024xi32>
    %reduce_min3A_896 = arith.constant dense<2147483647> : vector<512xi32>
    %reduce_min3A_897 = vector.multi_reduction <minsi>, %select_n3A_895, %reduce_min3A_896 [1] : vector<512x1024xi32> to vector<512xi32>
    %broadcast_in_dim3A_898 = vector.shape_cast %reduce_min3A_897 : vector<512xi32> to vector<512x1xi32>
    %eq3A_899 = vector.broadcast %broadcast_in_dim3A_898 : vector<512x1xi32> to vector<512x1024xi32>
    %eq3A_900 = arith.cmpi eq, %iota3A, %eq3A_899 : vector<512x1024xi32>
    %jit3A_901 = arith.constant 0x7F800000 : f32
    %broadcast_in_dim3A_902 = vector.broadcast %jit3A_901 : f32 to vector<512x1024xf32>
    %select_n3A_903 = arith.select %eq3A_900, %slice3A_804, %broadcast_in_dim3A_902 : vector<512x1024xi1>, vector<512x1024xf32>
    %reduce_min3A_904 = arith.constant dense<0x7F800000> : vector<512xf32>
    %reduce_min3A_905 = vector.multi_reduction <minimumf>, %select_n3A_903, %reduce_min3A_904 [1] : vector<512x1024xf32> to vector<512xf32>
    %broadcast_in_dim3A_906 = vector.shape_cast %reduce_min3A_905 : vector<512xf32> to vector<512x1xf32>
    %convert_element_type3A_907 = arith.truncf %select_n3A_883 : vector<512x1xf32> to vector<512x1xbf16>
    %convert_element_type3A_908 = arith.extf %convert_element_type3A_907 : vector<512x1xbf16> to vector<512x1xf32>
    %lt3A_909 = arith.cmpf olt, %broadcast_in_dim3A_906, %convert_element_type3A_908 : vector<512x1xf32>
    %add3A_910 = arith.constant 7168 : i32
    %add3A_911 = vector.broadcast %add3A_910 : i32 to vector<512x1xi32>
    %add3A_912 = arith.addi %broadcast_in_dim3A_898, %add3A_911 : vector<512x1xi32>
    %select_n3A_913 = arith.select %lt3A_909, %add3A_912, %select_n3A_887 : vector<512x1xi1>, vector<512x1xi32>
    %swap3A = arith.constant 0 : index
    %swap3A_914 = arith.constant 0 : index
    %swap3A_915 = vector.load %arg5[%swap3A, %swap3A_914] : memref<512x1xi32, #tpu.memory_space<vmem>>, vector<512x1xi32>
    tpu.vector_store %arg5[%swap3A, %swap3A_914], %select_n3A_913 {strides = array<i32>} : memref<512x1xi32, #tpu.memory_space<vmem>>, vector<512x1xi32>,
    return
  }
  func.func @transform_0(%arg0: i32) -> (i32, i32) {
    %c0_i32 = arith.constant 0 : i32
    %c0_i32_0 = arith.constant 0 : i32
    return %arg0, %c0_i32 : i32, i32
  }
  func.func @transform_1(%arg0: i32) -> (i32, i32) {
    %c0_i32 = arith.constant 0 : i32
    %c0_i32_0 = arith.constant 0 : i32
    %c0_i32_1 = arith.constant 0 : i32
    return %c0_i32, %c0_i32_0 : i32, i32
  }
  func.func @transform_2(%arg0: i32) -> (i32, i32) {
    %c0_i32 = arith.constant 0 : i32
    %c0_i32_0 = arith.constant 0 : i32
    return %arg0, %c0_i32 : i32, i32
  }
  func.func @transform_3(%arg0: i32) -> (i32, i32) {
    %c0_i32 = arith.constant 0 : i32
    %c0_i32_0 = arith.constant 0 : i32
    %c0_i32_1 = arith.constant 0 : i32
    return %c0_i32, %c0_i32_0 : i32, i32
  }
  func.func @transform_4(%arg0: i32) -> (i32, i32) {
    %c0_i32 = arith.constant 0 : i32
    %c0_i32_0 = arith.constant 0 : i32
    return %arg0, %c0_i32 : i32, i32
  }
}

</mosaic_0001>

<sc_bundles>
// kernel: kernel.4.cloned.1.call-start
scs
__scs_entry_jumppad:
0x0: {  	(pc) =	sbr.rel $0x88, $3  }
0x1: {  	(tag) =	ssettag $0x0;
	lr =	simm.s32 $0x1  }
0x2: {  	[smem:$0x3F9D] =	sst lr;
	_ =	strace $0xD0000000  }
0x3: {  	_ = 	snop  }
0x4: {  	_ = 	snop  }
0x5: {  	_ = 	snop  }
0x6: {  	_ = 	snop  }
0x7: {  	_ = 	snop  }
__scs_overlays_trampoline_lowered:
0x8: {  	[smem:$0x3FAC] =	sst s0  }
0x9: {  	[smem:$0x3FAD] =	sst s1  }
0xa: {  	[smem:$0x3FAE] =	sst s2  }
0xb: {  	[smem:$0x3FAF] =	sst s3  }
0xc: {  	[smem:$0x3FB0] =	sst s4  }
0xd: {  	[smem:$0x3FB1] =	sst s5  }
0xe: {  	[smem:$0x3FB2] =	sst s6  }
0xf: {  	[smem:$0x3FB3] =	sst s7  }
0x10: {  	[smem:$0x3FB4] =	sst s8  }
0x11: {  	[smem:$0x3FB5] =	sst s9;
	s0 =	simm.s32 @!p0 $0x0  }
0x12: {  	s1 =	sld [smem:$0x3F9B];
	s0 =	simm.s32 @p0 $0x1  }
0x13: {  	[smem:$0x3FB6] =	sst s0;
	s0 =	simm.s32 @!p1 $0x0  }
0x14: {  	s2 =	sld [smem:$0x3F9A];
	s0 =	simm.s32 @p1 $0x1  }
0x15: {  	[smem:$0x3FB7] =	sst s0;
	s0 =	simm.s32 @!p2 $0x0  }
0x16: {  	s3 =	sld [smem:$0x3FDB];
	s0 =	simm.s32 @p2 $0x1  }
0x17: {  	s4 =	simm.s32 $0x1BF5;
	[smem:$0x3FB9] =	sst s0  }
0x18: {  	s0 =	sld [smem:$0x3F9C];
	_ =	swait.ge [sflag:s4], $0x0  }
0x19: {  	s7 =	sld [smem:$0x3F9D]  }
0x1a: {  	s8 =	sadd.s32 $0xFFFFE003, lr  }
0x1b: {  	s9 =	sadd.s32 $0xFFFFFEF7, lr;
	s5 =	simm.s32 $0xFFFFFFFF;
	p2 =	slt.u32 s8, $0xFFFFF086  }
0x1c: {  	p1 =	slt.u32 s9, $0xF7A;
	s5 =	simm.s32 @!p2 $0x0  }
0x1d: {  	s5 =	simm.s32 @p1 $0x1;
	p0 =	seq.s32 s7, s2  }
0x1e: {  	s7 =	smul.u32 @!p0 $0xF7A, s2;
	p2 =	seq.s32 @!p0 s5, $0x0  }
0x1f: {  	s9 =	smul.u32 $0xF7A, s1;
	s8 =	simm.s32 @!p0 $0x1BF5;
	p2 =	por !p2, p0  }
0x20: {  	[sflag:s8] =	ssyncset.s32 @!p0 $0xFFFFF086;
	s6 =	sadd.s32 @!p0 s3, s7;
	s7 =	simm.s32 @!p0 $0x108  }
0x21: {  	s3 =	sadd.s32 s3, s9;
	s6 =	sadd.s32 @!p0 $0x88, s6;
	s7 =	simm.s32 @p2 $0x1082  }
0x22: {  	[simem:s7], [sflag:s8] =	dma.local @!p0 [hbm:s6], $0xF7A  }
0x23: {  	s9 =	sor.u32 $0xD0000000, s2;
	s6 =	simm.s32 $0x108;
	_ =	swait.ge @!p0 [sflag:s8], $0x0  }
0x24: {  	s3 =	sadd.s32 $0x88, s3;
	s6 =	simm.s32 @!p1 $0x1082;
	[sflag:s4] =	ssyncset.s32 $0xFFFFF086  }
0x25: {  	[simem:s6], [sflag:s4] =	dma.local [hbm:s3], $0xF7A  }
0x26: {  	[smem:$0x3F9D] =	sst s1;
	(tag) =	ssettag s2;
	_ =	strace s9  }
0x27: {  	s1 =	sld [smem:$0x3FAD]  }
0x28: {  	s2 =	sld [smem:$0x3FAE]  }
0x29: {  	s4 =	sld [smem:$0x3FB0]  }
0x2a: {  	p0 =	seq.s32 s5, $0x0;
	s5 =	sld [smem:$0x3FB1]  }
0x2b: {  	s6 =	sld [smem:$0x3FB2]  }
0x2c: {  	s7 =	sld [smem:$0x3FB3]  }
0x2d: {  	s3 =	simm.s32 $0x108;
	s8 =	sld [smem:$0x3FB4]  }
0x2e: {  	s3 =	simm.s32 @!p0 $0x1082;
	s9 =	sld [smem:$0x3FB5]  }
0x2f: {  	lr =	sadd.s32 s0, s3;
	s0 =	sld [smem:$0x3FAC]  }
0x30: {  	s3 =	sld [smem:$0x3FAF]  }
0x31: {  	[smem:$0x3FB8] =	sst s10  }
0x32: {  	s10 =	sld [smem:$0x3FB6];
	_ =	sdelay $0x3  }
0x33: {  	p0 =	seq.s32 s10, $0x1;
	s10 =	sld [smem:$0x3FB8];
	_ =	sdelay $0x3  }
0x34: {  	[smem:$0x3FB8] =	sst s10  }
0x35: {  	s10 =	sld [smem:$0x3FB7];
	_ =	sdelay $0x3  }
0x36: {  	p1 =	seq.s32 s10, $0x1;
	s10 =	sld [smem:$0x3FB8];
	_ =	sdelay $0x3  }
0x37: {  	[smem:$0x3FB8] =	sst s10  }
0x38: {  	s10 =	sld [smem:$0x3FB9]  }
0x39: {  	_ = 	snop;
	(pc) =	sbr.ind lr, $3  }
0x3a: {  	_ = 	snop  }
0x3b: {  	_ = 	snop  }
0x3c: {  	p2 =	seq.s32 s10, $0x1;
	s10 =	sld [smem:$0x3FB8]  }
0x3d: {  	_ =	shalt  }
0x3e: {  	_ =	shalt  }
0x3f: {  	_ =	shalt  }
0x40: {  	_ =	shalt  }
0x41: {  	_ =	shalt  }
0x42: {  	_ =	shalt  }
0x43: {  	_ =	shalt  }
0x44: {  	_ =	shalt  }
0x45: {  	_ =	shalt  }
0x46: {  	_ =	shalt  }
0x47: {  	_ =	shalt  }
0x48: {  	_ =	shalt  }
0x49: {  	_ =	shalt  }
0x4a: {  	_ =	shalt  }
0x4b: {  	_ =	shalt  }
0x4c: {  	_ =	shalt  }
0x4d: {  	_ =	shalt  }
0x4e: {  	_ =	shalt  }
0x4f: {  	_ =	shalt  }
0x50: {  	_ =	shalt  }
0x51: {  	_ =	shalt  }
0x52: {  	_ =	shalt  }
0x53: {  	_ =	shalt  }
0x54: {  	_ =	shalt  }
0x55: {  	_ =	shalt  }
0x56: {  	_ =	shalt  }
0x57: {  	_ =	shalt  }
0x58: {  	_ =	shalt  }
0x59: {  	_ =	shalt  }
0x5a: {  	_ =	shalt  }
0x5b: {  	_ =	shalt  }
0x5c: {  	_ =	shalt  }
0x5d: {  	_ =	shalt  }
0x5e: {  	_ =	shalt  }
0x5f: {  	_ =	shalt  }
0x60: {  	_ =	shalt  }
0x61: {  	_ =	shalt  }
0x62: {  	_ =	shalt  }
0x63: {  	_ =	shalt  }
0x64: {  	_ =	shalt  }
0x65: {  	_ =	shalt  }
0x66: {  	_ =	shalt  }
0x67: {  	_ =	shalt  }
0x68: {  	_ =	shalt  }
0x69: {  	_ =	shalt  }
0x6a: {  	_ =	shalt  }
0x6b: {  	_ =	shalt  }
0x6c: {  	_ =	shalt  }
0x6d: {  	_ =	shalt  }
0x6e: {  	_ =	shalt  }
0x6f: {  	_ =	shalt  }
0x70: {  	_ =	shalt  }
0x71: {  	_ =	shalt  }
0x72: {  	_ =	shalt  }
0x73: {  	_ =	shalt  }
0x74: {  	_ =	shalt  }
0x75: {  	_ =	shalt  }
0x76: {  	_ =	shalt  }
0x77: {  	_ =	shalt  }
0x78: {  	_ =	shalt  }
0x79: {  	_ =	shalt  }
0x7a: {  	_ =	shalt  }
0x7b: {  	_ =	shalt  }
0x7c: {  	_ =	shalt  }
0x7d: {  	_ =	shalt  }
0x7e: {  	_ =	shalt  }
0x7f: {  	_ =	shalt  }
0x80: {  	_ =	shalt  }
0x81: {  	_ =	shalt  }
0x82: {  	_ =	shalt  }
0x83: {  	_ =	shalt  }
0x84: {  	_ =	shalt  }
0x85: {  	_ =	shalt  }
0x86: {  	_ =	shalt  }
0x87: {  	_ =	shalt  }
.Lfunc_end0:
.L_simem_size_0:
called_computation_lowered:
.L_overlay_start_0:
0x88: {  	s2 =	sld [smem:$0x3FD9]  }
0x89: {  	s3 =	sld [smem:$0x3FFE];
	_ =	sdelay $0x1  }
0x8a: {  	s1 =	srdreg.scid  }
0x8b: {  	s0 =	sand.u32 $0x1, s1  }
0x8c: {  	s14 =	sshll.u32 s0, $0xA;
	s2 =	sadd.s32 s3, s2  }
0x8d: {  	s2 =	sadd.s32 s2, s14  }
0x8e: {  	[smem:$0x3FC4] =	sst s2  }
0x8f: {  	_ = 	snop  }
0x90: {  	s2 =	sld [smem:$0x3FD0];
	_ =	sdelay $0x2  }
0x91: {  	s15 =	simm.s32 $0xA;
	s4 =	simm.s32 $0x10  }
0x92: {  	[smem:s4], [sflag:s15] =	dma.local [hbm:s2], $0x1  }
0x93: {  	_ =	swait.eq [sflag:s15], $0x1  }
0x94: {  	[sflag:s15] =	ssyncset.done $0x0  }
0x95: {  	[sflag:s15] =	ssyncadd.s32 $0xFFFFFFFF  }
0x96: {  	s16 =	sld [smem:$0x13];
	(tm) =	ssettm $0x1  }
0x97: {  	s17 =	sld [smem:$0x3FFB];
	_ =	sdelay $0x3  }
0x98: {  	_ =	strace s17  }
0x99: {  	s3 =	sld [smem:$0x3FFC];
	_ =	sdelay $0x3  }
0x9a: {  	_ =	strace s3  }
0x9b: {  	s3 =	sld [smem:$0x3FFD];
	_ =	sdelay $0x3  }
0x9c: {  	_ =	strace s3  }
0x9d: {  	_ =	strace $0x8FFFFFFF  }
0x9e: {  	s18 =	sld [smem:$0x3FDB];
	_ =	sdelay $0x1  }
0x9f: {  	s19 =	simm.s32 $_scs_section_size  }
0xa0: {  	s5 =	simm.s32 $_size__tile_overlayer_lowered;
	s6 =	simm.s32 $_tile_overlayer_lowered  }
0xa1: {  	s22 =	simm.s32 $0x1BFF;
	s21 =	sshll.u32 s6, $0x1;
	s3 =	sadd.s32 s19, s18  }
0xa2: {  	s7 =	simm.s32 $0x0;
	s20 =	sshll.u32 s5, $0x1;
	s5 =	sadd.s32 s21, s3  }
0xa3: {  	[timem:s7], [sflag:s22] =	dma.local [hbm:s5], s20  }
0xa4: {  	_ =	swait.ge [sflag:s22], s20  }
0xa5: {  	s4 =	ssub.s32 $0x0, s20;
	[sflag:s22] =	ssyncset.done $0x0  }
0xa6: {  	[sflag:s22] =	ssyncadd.s32 s4;
	_ =	sdelay $0x1  }
0xa7: {  	s23 =	simm.s32 $0x1B8B  }
0xa8: {  	_ =	swait.ge [sflag:s23], $0x1  }
0xa9: {  	[sflag:s23] =	ssyncset.done $0x0  }
0xaa: {  	s25 =	simm.s32 $0x1B8E;
	s24 =	sld [smem:$0x3FFE];
	[sflag:s23] =	ssyncadd.s32 $0xFFFFFFFF  }
0xab: {  	s26 =	simm.s32 $execute0_lowered;
	[smem:$0x3FD2] =	sst s25  }
0xac: {  	s5 =	sshll.u32 s26, $0x1;
	_ =	strace $0x80000046;
	[dreg:$0x1] =	wrdreg $0xFFFFFFFF  }
0xad: {  	s28 =	simm.s32 $_size_execute0_lowered;
	s3 =	sadd.s32 s3, s5;
	[dreg:$0x0] =	wrdreg $0x0  }
0xae: {  	s5 =	sshll.u32 s28, $0x1;
	[dreg:$0x2] =	wrdreg s3  }
0xaf: {  	[dreg:$0x3] =	wrdreg s5  }
0xb0: {  	[dreg:$0x4] =	wrdreg $0xC0  }
0xb1: {  	_ =	task [dreg:s7], $0x5FFFF  }
0xb2: {  	[dreg:$0x1] =	wrdreg $0xFFFFFFFF  }
0xb3: {  	[dreg:$0x0] =	wrdreg $0x60  }
0xb4: {  	[dreg:$0x2] =	wrdreg s24  }
0xb5: {  	[dreg:$0x3] =	wrdreg s16  }
0xb6: {  	[dreg:$0x4] =	wrdreg $0x9  }
0xb7: {  	_ =	task.clear_ibuf [dreg:s7], $0x5FFFF;
	_ =	strace $0x90000046  }
0xb8: {  	s29 =	simm.s32 $0x9;
	_ =	strace $0x80000048  }
0xb9: {  	_ =	swait.ge [sflag:s29], $0x1  }
0xba: {  	[sflag:s29] =	ssyncadd.s32 $0xFFFFFFFF  }
0xbb: {  	_ =	strace $0x90000048  }
0xbc: {  	_ =	sfence  }
0xbd: {  	s30 =	sld [smem:$0x0];
	_ =	sdelay $0x2  }
0xbe: {  	s31 =	sshll.u32 s1, $0xD;
	s1 =	sshrl.u32 s1, $0x2  }
0xbf: {  	s3 =	sand.u32 $0x4000, s31;
	s1 =	sadd.s32 s1, s30  }
0xc0: {  	s0 =	sor.u32 s3, s0;
	s1 =	sshll.u32 s1, $0x11  }
0xc1: {  	s0 =	sor.u32 s1, s0  }
0xc2: {  	s0 =	sadd.s32 $0x8F2B, s0  }
0xc3: {  	[sflag:s0] =	ssyncadd.remote.s32 $0x1  }
0xc4: {  	_ =	sfence.sel $0xFFFF  }
0xc5: {  	[dreg:$0x0] =	wrdreg $0xFFFFFFFF;
	(pc) =	sbr.abs _section_cstart, $3  }
0xc6: {  	[dreg:$0x1] =	wrdreg $0xFFFFFFFF  }
0xc7: {  	_ =	task.clear_ibuf [dreg:s7], $0x2FFFF;
	_ =	strace $0x9FFFFFFF  }
0xc8: {  	(tm) =	ssettm $0x7FFFFFFF  }
0xc9: {  	_ =	shalt  }
tec
execute0_lowered:
.L_overlay_start_1:
0x0: {  	(tag) =	ssettag $0x1  }
0x1: {  	s1 =	srdreg.scid;
	s0 =	stileid.u32  }
0x2: {  	s2 =	rddreg [dreg:$0x0];
	s12 =	sand.u32 $0x1, s1;
	s29 =	sshll.u32 s0, $0x1  }
0x3: {  	s4 =	rddreg [dreg:$0x1];
	s13 =	sor.u32 s12, s29  }
0x4: {  	s3 =	simm.s32 $0x0;
	s1 =	rddreg [dreg:$0x2];
	s5 =	smul.u32 $0x24, s13  }
0x5: {  	[smem:$0x7FF] =	sst s3  }
0x6: {  	_ =	strace $0x80000047;
	s5 =	sadd.s32 s4, s5;
	s4 =	simm.s32 $0x2  }
0x7: {  	[tilespmem:s3], [sflag:$0x2] =	stream.linear.gather [hbm4b:s5+s3], $0x120, $0x38;
	[tilespmem:$0x9180] =	vst v63  }
0x8: {  	_ =	swait.ge [sflag:s4], $0x120  }
0x9: {  	[sflag:s4] =	ssyncset.done $0x0  }
0xa: {  	s6 =	simm.s32 $0x60;
	s7 =	simm.s32 $0x180;
	[sflag:s4] =	ssyncadd.s32 $0xFFFFFEE0  }
0xb: {  	[tilespmem:s7], [sflag:$0x1] =	stream.indirect.gather [hbm4b:s2+s6], $0x80, s3, s6, $0xb8;
	[tilespmem:$0x9180] =	vst v63  }
0xc: {  	s8 =	simm.s32 $0x3180  }
0xd: {  	[tilespmem:s8], [sflag:$0x1] =	stream.indirect.gather [hbm4b:s2+s6], $0x80, s6, s6, $0xb8;
	[tilespmem:$0x9180] =	vst v63  }
0xe: {  	s9 =	simm.s32 $0xC0;
	s10 =	simm.s32 $0x6180;
	s11 =	simm.s32 $0x1  }
0xf: {  	[tilespmem:s10], [sflag:$0x1] =	stream.indirect.gather [hbm4b:s2+s6], $0x80, s9, s6, $0xb8;
	[tilespmem:$0x9180] =	vst v63  }
0x10: {  	_ =	swait.ge [sflag:s11], $0x3000  }
0x11: {  	[sflag:s11] =	ssyncset.done $0x0  }
0x12: {  	s12 =	ssub.s32 $0x2, s12;
	[sflag:s11] =	ssyncadd.s32 $0xFFFFD000  }
0x13: {  	s14 =	sshrl.u32 s12, $0x1;
	_ =	swait.ge [sflag:s11], $0x3000  }
0x14: {  	s14 =	ssub.s32 s12, s14;
	[sflag:s11] =	ssyncset.done $0x0  }
0x15: {  	s13 =	smul.u32 $0x1200, s13;
	s31 =	smax.u32 s14, $0x1;
	[sflag:s11] =	ssyncadd.s32 $0xFFFFD000  }
0x16: {  	p0 =	sne.s32 s31, $0x1;
	_ =	swait.ge [sflag:s11], $0x3000  }
.Ltmp0:
0x17: {  	s30 =	sadd.s32 s13, s2;
	[sflag:s11] =	ssyncset.done $0x0;
	(pc) =	sbr.rel @!p0 .LBB2_2-.Ltmp0, $4  }
0x18: {  	s12 =	sadd.s32 $0x20000, s30;
	[sflag:s11] =	ssyncadd.s32 $0xFFFFD000  }
0x19: {  	[hbm4b:s12+s3] =	stream.linear.scatter [tilespmem:s7], [sflag:$0x2], $0x9000, $0x38;
	[tilespmem:$0x9180] =	vst v63  }
0x1a: {  	_ =	swait.ge [sflag:s4], $0x9000  }
0x1b: {  	s13 =	sadd.s32 $0xFFFFFFFF, s31;
	[sflag:s4] =	ssyncset.done $0x0  }
.LBB2_1:
0x1c: {  	p0 =	sne.s32 s13, $0x1;
	s13 =	sadd.s32 $0xFFFFFFFF, s13;
	[sflag:s4] =	ssyncadd.s32 $0xFFFF7000  }
0x1d: {  	[tilespmem:s3], [sflag:$0x2] =	stream.linear.gather [hbm4b:s5+s3], $0x120, $0x38;
	[tilespmem:$0x9180] =	vst v63  }
0x1e: {  	_ =	swait.ge [sflag:s4], $0x120  }
0x1f: {  	[sflag:s4] =	ssyncset.done $0x0  }
0x20: {  	[sflag:s4] =	ssyncadd.s32 $0xFFFFFEE0  }
0x21: {  	[tilespmem:s7], [sflag:$0x1] =	stream.indirect.gather [hbm4b:s2+s6], $0x80, s3, s6, $0xb8;
	[tilespmem:$0x9180] =	vst v63  }
0x22: {  	_ = 	snop  }
0x23: {  	[tilespmem:s8], [sflag:$0x1] =	stream.indirect.gather [hbm4b:s2+s6], $0x80, s6, s6, $0xb8;
	[tilespmem:$0x9180] =	vst v63  }
0x24: {  	_ = 	snop  }
0x25: {  	[tilespmem:s10], [sflag:$0x1] =	stream.indirect.gather [hbm4b:s2+s6], $0x80, s9, s6, $0xb8;
	[tilespmem:$0x9180] =	vst v63  }
0x26: {  	_ =	swait.ge [sflag:s11], $0x3000  }
0x27: {  	[sflag:s11] =	ssyncset.done $0x0  }
0x28: {  	[sflag:s11] =	ssyncadd.s32 $0xFFFFD000  }
0x29: {  	_ =	swait.ge [sflag:s11], $0x3000  }
0x2a: {  	[sflag:s11] =	ssyncset.done $0x0  }
0x2b: {  	[sflag:s11] =	ssyncadd.s32 $0xFFFFD000  }
0x2c: {  	_ =	swait.ge [sflag:s11], $0x3000  }
.Ltmp1:
0x2d: {  	[sflag:s11] =	ssyncset.done $0x0;
	(pc) =	sbr.rel @p0 .LBB2_1-.Ltmp1, $4  }
0x2e: {  	[sflag:s11] =	ssyncadd.s32 $0xFFFFD000  }
0x2f: {  	[hbm4b:s12+s3] =	stream.linear.scatter [tilespmem:s7], [sflag:$0x2], $0x9000, $0x38;
	[tilespmem:$0x9180] =	vst v63  }
0x30: {  	_ =	swait.ge [sflag:s4], $0x9000  }
0x31: {  	[sflag:s4] =	ssyncset.done $0x0  }
.LBB2_2:
0x32: {  	[sflag:s4] =	ssyncadd.s32 $0xFFFF7000  }
0x33: {  	_ =	sfence.sel $0x180000  }
0x34: {  	[bflag:$0x0] =	sbarrier.arrive $0xFFFF  }
0x35: {  	p0 =	sne.s32 s0, $0x0;
	_ =	strace $0x90000047  }
0x36: {  	s0 =	sadd.s32 @!p0 $0x100000, s1;
	[bflag:$0x2] =	sbarrier.arrive $0xFFFF  }
0x37: {  	[sflag:s0] =	ssyncadd.tile.s32 @!p0 $0x1;
	_ =	shalt  }
.Lfunc_end2:
_tile_overlayer_lowered:
.L_overlay_start_2:
0x38: {  	(tag) =	ssettag $0x2  }
0x39: {  	s0 =	rddreg [dreg:$0x0];
	s2 =	stileid.u32  }
0x3a: {  	s1 =	rddreg [dreg:$0x1];
	p0 =	sne.s32 s2, $0x0  }
0x3b: {  	s3 =	rddreg [dreg:$0x2];
	[bflag:$0x3] =	sbarrier.arrive $0xFFFF;
	s2 =	simm.s32 @!p0 $0x1C02  }
0x3c: {  	[timem:s3], [sflag:s2] =	dma.local @!p0 [hbm:s0], s1  }
0x3d: {  	s0 =	simm.s32 @!p0 $0x2  }
0x3e: {  	_ =	swait.ge @!p0 [sflag:s0], s1  }
0x3f: {  	s1 =	ssub.s32 @!p0 $0x0, s1;
	[sflag:s0] =	ssyncset.done @!p0 $0x0  }
0x40: {  	[sflag:s0] =	ssyncadd.s32 @!p0 s1  }
0x41: {  	[bflag:$0x3] =	sbarrier.arrive $0xFFFF  }
0x42: {  	_ =	shalt  }

</sc_bundles>
